<compile_context>
chip_gen: v7x
topology: tpu7x:2x2x1
jax: 0.10.2.dev20260603
libtpu: 0.0.44.dev20260713+nightly
codegen_flags: <defaults>
</compile_context>

<pallas_src>
import jax
import jax.numpy as jnp
from jax import lax
from jax.experimental import pallas as pl
from jax.experimental.pallas import tpu as pltpu
from jax.experimental.pallas import tpu_sc as plsc

M = 1_000_000
D = 64
NC = 2
NS = 16
NW = NC * NS
W = 768
S = 196608
CS = S // W
ITERS = CS // NW
G = 8
PASSES = W // (16 * G)
WT = 32768


def _sc_body(items_hbm, u_hbm, out_hbm, in_buf0, in_buf1, out_buf0, out_buf1,
             u_vmem, sem0, sem1, osem0, osem1):
    wid = lax.axis_index("s") * NC + lax.axis_index("c")
    in_bufs = (in_buf0, in_buf1)
    sems = (sem0, sem1)
    out_bufs = (out_buf0, out_buf1)
    osems = (osem0, osem1)

    pltpu.sync_copy(u_hbm, u_vmem)

    def start_in(j, b):
        col0 = (wid + NW * j) * W
        pltpu.async_copy(items_hbm.at[:, pl.ds(col0, W)], in_bufs[b], sems[b])

    def wait_in(j, b):
        col0 = (wid + NW * j) * W
        pltpu.make_async_copy(items_hbm.at[:, pl.ds(col0, W)], in_bufs[b],
                              sems[b]).wait()

    def compute(j, b):
        buf = in_bufs[b]
        out_buf = out_bufs[b]

        def one_pass(p, _):
            base = p * (16 * G)

            def d_block(db, accs):
                accs = list(accs)
                for k in range(8):
                    d = db * 8 + k
                    u_d = u_vmem[d, :]
                    for g in range(G):
                        v = buf[d, pl.ds(base + g * 16, 16)]
                        accs[g] = accs[g] + v * u_d
                return tuple(accs)

            accs = lax.fori_loop(
                0, D // 8, d_block,
                tuple(jnp.zeros((16,), jnp.float32) for _ in range(G)))
            for g in range(G):
                out_buf[pl.ds(base + g * 16, 16)] = accs[g]
            return 0

        lax.fori_loop(0, PASSES, one_pass, 0)
        pltpu.async_copy(out_buf, out_hbm.at[pl.ds((wid + NW * j) * W, W)],
                         osems[b])

    start_in(0, 0)

    def step(jp, _):
        for b in (0, 1):
            j = 2 * jp + b

            @pl.when(j + 1 < ITERS)
            def _():
                start_in(j + 1, 1 - b)

            wait_in(j, b)

            @pl.when(j - 2 >= 0)
            def _():
                pltpu.make_async_copy(
                    out_bufs[b],
                    out_hbm.at[pl.ds((wid + NW * (j - 2)) * W, W)],
                    osems[b]).wait()

            compute(j, b)
        return 0

    lax.fori_loop(0, ITERS // 2, step, 0)

    for j in (ITERS - 2, ITERS - 1):
        pltpu.make_async_copy(
            out_bufs[j % 2],
            out_hbm.at[pl.ds((wid + NW * j) * W, W)],
            osems[j % 2]).wait()


def _sc_matvec(items_t, u_b):
    mesh = plsc.VectorSubcoreMesh(core_axis_name="c", subcore_axis_name="s")
    f = pl.kernel(
        _sc_body,
        out_type=jax.ShapeDtypeStruct((S,), jnp.float32),
        mesh=mesh,
        scratch_types=[
            pltpu.VMEM((D, W), jnp.float32),
            pltpu.VMEM((D, W), jnp.float32),
            pltpu.VMEM((W,), jnp.float32),
            pltpu.VMEM((W,), jnp.float32),
            pltpu.VMEM((D, 16), jnp.float32),
            pltpu.SemaphoreType.DMA,
            pltpu.SemaphoreType.DMA,
            pltpu.SemaphoreType.DMA,
            pltpu.SemaphoreType.DMA,
        ],
        compiler_params=pltpu.CompilerParams(needs_layout_passes=False,
                                             use_tc_tiling_on_sc=True),
    )
    return f(items_t, u_b)


def _tc_body(u_ref, x_ref, o_ref):
    o_ref[...] = jnp.sum(x_ref[...] * u_ref[...], axis=0)


def _tc_matvec(items_t, u_col):
    n = M - S
    grid = ((n + WT - 1) // WT,)
    return pl.pallas_call(
        _tc_body,
        grid=grid,
        in_specs=[
            pl.BlockSpec((D, 1), lambda i: (0, 0)),
            pl.BlockSpec((D, WT), lambda i: (0, i + S // WT)),
        ],
        out_specs=pl.BlockSpec((WT,), lambda i: (i,)),
        out_shape=jax.ShapeDtypeStruct((n,), jnp.float32),
    )(u_col, items_t)


@jax.jit
def _hybrid(items_t, u_b, u_col):
    sc = _sc_matvec(items_t, u_b)
    tc = _tc_matvec(items_t, u_col)
    return jnp.concatenate([sc, tc])


def kernel(items_emb, user_emb):
    u_b = jnp.broadcast_to(user_emb.reshape(D, 1), (D, 16))
    return _hybrid(items_emb.T, u_b, user_emb.reshape(D, 1))

# --- scband reference (transcript-rebuilt; emitter-appended) ---
"""Pipeline reference for scband-fed-rec-client-73340861546603 (READ-ONLY COPY).

The authoritative reference and input builder live on the scoring server;
editing this copy changes nothing except your own understanding.
"""

import jax, jax.numpy as jnp
import numpy as np

M_ITEM = 1000000
DIM = 64

def setup_inputs(seed: int = 0) -> dict:
    key = jax.random.key(seed)
    k1, k2 = jax.random.split(key)
    items_emb = jax.random.normal(k1, (M_ITEM, DIM), dtype=jnp.float32)
    # learned parameter: user embedding, nn.Embedding(1, dim) with normal(std=0.01) init
    user_emb = jax.random.normal(k2, (1, DIM), dtype=jnp.float32) * 0.01
    return {"items_emb": items_emb, "user_emb": user_emb}

def reference(items_emb, user_emb):
    # scores = torch.sum(self._user_emb.weight * items_emb, dim=-1)
    # user_emb [1, dim] broadcasts against items_emb [m_item, dim]
    scores = jnp.sum(user_emb * items_emb, axis=-1)
    return scores

if __name__ == "__main__":
    import jax
    _d = setup_inputs()
    print(jax.jit(kernel)(*tuple(_d.values())))

</pallas_src>

<mosaic_0001>
#map = affine_map<(d0, d1) -> (0, 0)>
#map1 = affine_map<(d0, d1) -> (0)>
module attributes {stable_mosaic.version = 14 : i64} {
  func.func @_sc_body(%arg0: i32, %arg1: i32, %arg2: memref<64x1000000xf32, #tpu.memory_space<hbm>>, %arg3: memref<64x16xf32, #tpu.memory_space<hbm>>, %arg4: memref<196608xf32, #tpu.memory_space<hbm>>, %arg5: memref<64x768xf32, #tpu.memory_space<vmem>>, %arg6: memref<64x768xf32, #tpu.memory_space<vmem>>, %arg7: memref<768xf32, #tpu.memory_space<vmem>>, %arg8: memref<768xf32, #tpu.memory_space<vmem>>, %arg9: memref<64x16xf32, #tpu.memory_space<vmem>>, %arg10: memref<!tpu.dma_semaphore, #tpu.memory_space<semaphore_mem>>, %arg11: memref<!tpu.dma_semaphore, #tpu.memory_space<semaphore_mem>>, %arg12: memref<!tpu.dma_semaphore, #tpu.memory_space<semaphore_mem>>, %arg13: memref<!tpu.dma_semaphore, #tpu.memory_space<semaphore_mem>>) attributes {dimension_semantics = [#tpu.dimension_semantics<core_parallel>, #tpu.dimension_semantics<subcore_parallel>], iteration_bounds = array<i64: 2, 16>, scalar_prefetch = 0 : i64, scratch_operands = 9 : i64, tpu.core_type = #tpu.core_type<sc_vector_subcore>, window_params = [{transform_indices = #map}, {transform_indices = #map}, {transform_indices = #map1}]} {
    %mul3A = arith.constant 2 : i32
    %mul3A_0 = arith.muli %arg1, %mul3A : i32
    %add3A = arith.addi %mul3A_0, %arg0 : i32
    "tpu.region"() ({
      %run_scoped3A = tpu.sem_alloc : memref<!tpu.dma_semaphore, #tpu.memory_space<semaphore_mem>>
      tpu.enqueue_dma source(%arg3 : memref<64x16xf32, #tpu.memory_space<hbm>>) target(%arg9 : memref<64x16xf32, #tpu.memory_space<vmem>>) target_semaphore(%run_scoped3A : memref<!tpu.dma_semaphore, #tpu.memory_space<semaphore_mem>>)
      tpu.wait_dma2 semaphore(%run_scoped3A : memref<!tpu.dma_semaphore, #tpu.memory_space<semaphore_mem>>) src(%arg3 : memref<64x16xf32, #tpu.memory_space<hbm>>) dst(%arg9 : memref<64x16xf32, #tpu.memory_space<vmem>>)
      tpu.yield
    }) : () -> ()
    %add3A_1 = arith.constant 0 : i32
    %add3A_2 = arith.addi %add3A, %add3A_1 : i32
    %mul3A_3 = arith.constant 768 : i32
    %mul3A_4 = arith.muli %add3A_2, %mul3A_3 : i32
    %dma_start3A = arith.constant 0 : i32
    %dma_start3A_5 = tpu.memref_slice %arg2[%dma_start3A, %mul3A_4] : memref<64x1000000xf32, #tpu.memory_space<hbm>> -> memref<64x768xf32, #tpu.memory_space<hbm>>
    %dma_start3A_6 = arith.constant 0 : i32
    %dma_start3A_7 = tpu.memref_slice %arg2[%dma_start3A_6, %mul3A_4] : memref<64x1000000xf32, #tpu.memory_space<hbm>> -> memref<64x768xf32, #tpu.memory_space<hbm>>
    tpu.enqueue_dma source(%dma_start3A_7 : memref<64x768xf32, #tpu.memory_space<hbm>>) target(%arg5 : memref<64x768xf32, #tpu.memory_space<vmem>>) target_semaphore(%arg10 : memref<!tpu.dma_semaphore, #tpu.memory_space<semaphore_mem>>)
    %scan3A = arith.constant 0 : i32
    %scan3A_8 = arith.constant 0 : i32
    %scan3A_9 = arith.constant 4 : i32
    %scan3A_10 = arith.addi %scan3A_8, %scan3A_9 : i32
    %scan3A_11 = arith.constant 1 : i32
    %scan3A_12 = scf.for %scan3A_25 = %scan3A_8 to %scan3A_10 step %scan3A_11 iter_args(%scan3A_26 = %scan3A) -> (i32)  : i32 {
      %mul3A_27 = arith.constant 2 : i32
      %mul3A_28 = arith.muli %mul3A_27, %scan3A_25 : i32
      %add3A_29 = arith.constant 0 : i32
      %add3A_30 = arith.addi %mul3A_28, %add3A_29 : i32
      %add3A_31 = arith.constant 1 : i32
      %add3A_32 = arith.addi %add3A_30, %add3A_31 : i32
      %lt3A = arith.constant 8 : i32
      %lt3A_33 = arith.cmpi slt, %add3A_32, %lt3A : i32
      %convert_element_type3A = arith.extui %lt3A_33 : i1 to i32
      %cond3A = arith.constant 0 : i32
      %cond3A_34 = arith.cmpi ne, %convert_element_type3A, %cond3A : i32
      scf.if %cond3A_34 {
        %add3A_105 = arith.constant 1 : i32
        %add3A_106 = arith.addi %add3A_30, %add3A_105 : i32
        %mul3A_107 = arith.constant 32 : i32
        %mul3A_108 = arith.muli %mul3A_107, %add3A_106 : i32
        %add3A_109 = arith.addi %add3A, %mul3A_108 : i32
        %mul3A_110 = arith.constant 768 : i32
        %mul3A_111 = arith.muli %add3A_109, %mul3A_110 : i32
        %dma_start3A_112 = arith.constant 0 : i32
        %dma_start3A_113 = tpu.memref_slice %arg2[%dma_start3A_112, %mul3A_111] : memref<64x1000000xf32, #tpu.memory_space<hbm>> -> memref<64x768xf32, #tpu.memory_space<hbm>>
        %dma_start3A_114 = arith.constant 0 : i32
        %dma_start3A_115 = tpu.memref_slice %arg2[%dma_start3A_114, %mul3A_111] : memref<64x1000000xf32, #tpu.memory_space<hbm>> -> memref<64x768xf32, #tpu.memory_space<hbm>>
        tpu.enqueue_dma source(%dma_start3A_115 : memref<64x768xf32, #tpu.memory_space<hbm>>) target(%arg6 : memref<64x768xf32, #tpu.memory_space<vmem>>) target_semaphore(%arg11 : memref<!tpu.dma_semaphore, #tpu.memory_space<semaphore_mem>>)
      } else {
      }
      %mul3A_35 = arith.constant 32 : i32
      %mul3A_36 = arith.muli %mul3A_35, %add3A_30 : i32
      %add3A_37 = arith.addi %add3A, %mul3A_36 : i32
      %mul3A_38 = arith.constant 768 : i32
      %mul3A_39 = arith.muli %add3A_37, %mul3A_38 : i32
      %dma_wait3A_40 = arith.constant 0 : i32
      %dma_wait3A_41 = tpu.memref_slice %arg2[%dma_wait3A_40, %mul3A_39] : memref<64x1000000xf32, #tpu.memory_space<hbm>> -> memref<64x768xf32, #tpu.memory_space<hbm>>
      %dma_wait3A_42 = arith.constant 0 : i32
      %dma_wait3A_43 = tpu.memref_slice %arg2[%dma_wait3A_42, %mul3A_39] : memref<64x1000000xf32, #tpu.memory_space<hbm>> -> memref<64x768xf32, #tpu.memory_space<hbm>>
      tpu.wait_dma2 semaphore(%arg10 : memref<!tpu.dma_semaphore, #tpu.memory_space<semaphore_mem>>) src(%dma_wait3A_43 : memref<64x768xf32, #tpu.memory_space<hbm>>) dst(%arg5 : memref<64x768xf32, #tpu.memory_space<vmem>>)
      %sub3A = arith.constant 2 : i32
      %sub3A_44 = arith.subi %add3A_30, %sub3A : i32
      %ge3A = arith.constant 0 : i32
      %ge3A_45 = arith.cmpi sge, %sub3A_44, %ge3A : i32
      %convert_element_type3A_46 = arith.extui %ge3A_45 : i1 to i32
      %cond3A_47 = arith.constant 0 : i32
      %cond3A_48 = arith.cmpi ne, %convert_element_type3A_46, %cond3A_47 : i32
      scf.if %cond3A_48 {
        %sub3A_105 = arith.constant 2 : i32
        %sub3A_106 = arith.subi %add3A_30, %sub3A_105 : i32
        %mul3A_107 = arith.constant 32 : i32
        %mul3A_108 = arith.muli %mul3A_107, %sub3A_106 : i32
        %add3A_109 = arith.addi %add3A, %mul3A_108 : i32
        %mul3A_110 = arith.constant 768 : i32
        %mul3A_111 = arith.muli %add3A_109, %mul3A_110 : i32
        %dma_wait3A_112 = tpu.memref_slice %arg4[%mul3A_111] : memref<196608xf32, #tpu.memory_space<hbm>> -> memref<768xf32, #tpu.memory_space<hbm>>
        %dma_wait3A_113 = tpu.memref_slice %arg4[%mul3A_111] : memref<196608xf32, #tpu.memory_space<hbm>> -> memref<768xf32, #tpu.memory_space<hbm>>
        tpu.wait_dma2 semaphore(%arg12 : memref<!tpu.dma_semaphore, #tpu.memory_space<semaphore_mem>>) src(%arg7 : memref<768xf32, #tpu.memory_space<vmem>>) dst(%dma_wait3A_113 : memref<768xf32, #tpu.memory_space<hbm>>)
      } else {
      }
      %scan3A_49 = arith.constant 0 : i32
      %scan3A_50 = arith.constant 0 : i32
      %scan3A_51 = arith.constant 6 : i32
      %scan3A_52 = arith.addi %scan3A_50, %scan3A_51 : i32
      %scan3A_53 = arith.constant 1 : i32
      %scan3A_54 = scf.for %scan3A_105 = %scan3A_50 to %scan3A_52 step %scan3A_53 iter_args(%scan3A_106 = %scan3A_49) -> (i32)  : i32 {
        %mul3A_107 = arith.constant 128 : i32
        %mul3A_108 = arith.muli %scan3A_105, %mul3A_107 : i32
        %broadcast_in_dim3A = arith.constant 0.000000e+00 : f32
        %broadcast_in_dim3A_109 = vector.broadcast %broadcast_in_dim3A : f32 to vector<16xf32>
        %broadcast_in_dim3A_110 = arith.constant 0.000000e+00 : f32
        %broadcast_in_dim3A_111 = vector.broadcast %broadcast_in_dim3A_110 : f32 to vector<16xf32>
        %broadcast_in_dim3A_112 = arith.constant 0.000000e+00 : f32
        %broadcast_in_dim3A_113 = vector.broadcast %broadcast_in_dim3A_112 : f32 to vector<16xf32>
        %broadcast_in_dim3A_114 = arith.constant 0.000000e+00 : f32
        %broadcast_in_dim3A_115 = vector.broadcast %broadcast_in_dim3A_114 : f32 to vector<16xf32>
        %broadcast_in_dim3A_116 = arith.constant 0.000000e+00 : f32
        %broadcast_in_dim3A_117 = vector.broadcast %broadcast_in_dim3A_116 : f32 to vector<16xf32>
        %broadcast_in_dim3A_118 = arith.constant 0.000000e+00 : f32
        %broadcast_in_dim3A_119 = vector.broadcast %broadcast_in_dim3A_118 : f32 to vector<16xf32>
        %broadcast_in_dim3A_120 = arith.constant 0.000000e+00 : f32
        %broadcast_in_dim3A_121 = vector.broadcast %broadcast_in_dim3A_120 : f32 to vector<16xf32>
        %broadcast_in_dim3A_122 = arith.constant 0.000000e+00 : f32
        %broadcast_in_dim3A_123 = vector.broadcast %broadcast_in_dim3A_122 : f32 to vector<16xf32>
        %scan3A_124 = arith.constant 0 : i32
        %scan3A_125 = arith.constant 8 : i32
        %scan3A_126 = arith.addi %scan3A_124, %scan3A_125 : i32
        %scan3A_127 = arith.constant 1 : i32
        %scan3A_128:8 = scf.for %scan3A_162 = %scan3A_124 to %scan3A_126 step %scan3A_127 iter_args(%scan3A_163 = %broadcast_in_dim3A_109, %scan3A_164 = %broadcast_in_dim3A_111, %scan3A_165 = %broadcast_in_dim3A_113, %scan3A_166 = %broadcast_in_dim3A_115, %scan3A_167 = %broadcast_in_dim3A_117, %scan3A_168 = %broadcast_in_dim3A_119, %scan3A_169 = %broadcast_in_dim3A_121, %scan3A_170 = %broadcast_in_dim3A_123) -> (vector<16xf32>, vector<16xf32>, vector<16xf32>, vector<16xf32>, vector<16xf32>, vector<16xf32>, vector<16xf32>, vector<16xf32>)  : i32 {
          %mul3A_171 = arith.constant 8 : i32
          %mul3A_172 = arith.muli %scan3A_162, %mul3A_171 : i32
          %add3A_173 = arith.constant 0 : i32
          %add3A_174 = arith.addi %mul3A_172, %add3A_173 : i32
          %get3A = arith.index_cast %add3A_174 : i32 to index
          %get3A_175 = arith.constant 0 : index
          %get3A_176 = tpu.vector_load %arg9[%get3A, %get3A_175] {strides = array<i32>} : memref<64x16xf32, #tpu.memory_space<vmem>>, vector<16xf32>,
          %add3A_177 = arith.constant 0 : i32
          %add3A_178 = arith.addi %mul3A_108, %add3A_177 : i32
          %get3A_179 = arith.index_cast %add3A_174 : i32 to index
          %get3A_180 = arith.index_cast %add3A_178 : i32 to index
          %get3A_181 = tpu.vector_load %arg5[%get3A_179, %get3A_180] {strides = array<i32>} : memref<64x768xf32, #tpu.memory_space<vmem>>, vector<16xf32>,
          %mul3A_182 = arith.mulf %get3A_181, %get3A_176 : vector<16xf32>
          %add3A_183 = arith.addf %scan3A_163, %mul3A_182 : vector<16xf32>
          %add3A_184 = arith.constant 16 : i32
          %add3A_185 = arith.addi %mul3A_108, %add3A_184 : i32
          %get3A_186 = arith.index_cast %add3A_174 : i32 to index
          %get3A_187 = arith.index_cast %add3A_185 : i32 to index
          %get3A_188 = tpu.vector_load %arg5[%get3A_186, %get3A_187] {strides = array<i32>} : memref<64x768xf32, #tpu.memory_space<vmem>>, vector<16xf32>,
          %mul3A_189 = arith.mulf %get3A_188, %get3A_176 : vector<16xf32>
          %add3A_190 = arith.addf %scan3A_164, %mul3A_189 : vector<16xf32>
          %add3A_191 = arith.constant 32 : i32
          %add3A_192 = arith.addi %mul3A_108, %add3A_191 : i32
          %get3A_193 = arith.index_cast %add3A_174 : i32 to index
          %get3A_194 = arith.index_cast %add3A_192 : i32 to index
          %get3A_195 = tpu.vector_load %arg5[%get3A_193, %get3A_194] {strides = array<i32>} : memref<64x768xf32, #tpu.memory_space<vmem>>, vector<16xf32>,
          %mul3A_196 = arith.mulf %get3A_195, %get3A_176 : vector<16xf32>
          %add3A_197 = arith.addf %scan3A_165, %mul3A_196 : vector<16xf32>
          %add3A_198 = arith.constant 48 : i32
          %add3A_199 = arith.addi %mul3A_108, %add3A_198 : i32
          %get3A_200 = arith.index_cast %add3A_174 : i32 to index
          %get3A_201 = arith.index_cast %add3A_199 : i32 to index
          %get3A_202 = tpu.vector_load %arg5[%get3A_200, %get3A_201] {strides = array<i32>} : memref<64x768xf32, #tpu.memory_space<vmem>>, vector<16xf32>,
          %mul3A_203 = arith.mulf %get3A_202, %get3A_176 : vector<16xf32>
          %add3A_204 = arith.addf %scan3A_166, %mul3A_203 : vector<16xf32>
          %add3A_205 = arith.constant 64 : i32
          %add3A_206 = arith.addi %mul3A_108, %add3A_205 : i32
          %get3A_207 = arith.index_cast %add3A_174 : i32 to index
          %get3A_208 = arith.index_cast %add3A_206 : i32 to index
          %get3A_209 = tpu.vector_load %arg5[%get3A_207, %get3A_208] {strides = array<i32>} : memref<64x768xf32, #tpu.memory_space<vmem>>, vector<16xf32>,
          %mul3A_210 = arith.mulf %get3A_209, %get3A_176 : vector<16xf32>
          %add3A_211 = arith.addf %scan3A_167, %mul3A_210 : vector<16xf32>
          %add3A_212 = arith.constant 80 : i32
          %add3A_213 = arith.addi %mul3A_108, %add3A_212 : i32
          %get3A_214 = arith.index_cast %add3A_174 : i32 to index
          %get3A_215 = arith.index_cast %add3A_213 : i32 to index
          %get3A_216 = tpu.vector_load %arg5[%get3A_214, %get3A_215] {strides = array<i32>} : memref<64x768xf32, #tpu.memory_space<vmem>>, vector<16xf32>,
          %mul3A_217 = arith.mulf %get3A_216, %get3A_176 : vector<16xf32>
          %add3A_218 = arith.addf %scan3A_168, %mul3A_217 : vector<16xf32>
          %add3A_219 = arith.constant 96 : i32
          %add3A_220 = arith.addi %mul3A_108, %add3A_219 : i32
          %get3A_221 = arith.index_cast %add3A_174 : i32 to index
          %get3A_222 = arith.index_cast %add3A_220 : i32 to index
          %get3A_223 = tpu.vector_load %arg5[%get3A_221, %get3A_222] {strides = array<i32>} : memref<64x768xf32, #tpu.memory_space<vmem>>, vector<16xf32>,
          %mul3A_224 = arith.mulf %get3A_223, %get3A_176 : vector<16xf32>
          %add3A_225 = arith.addf %scan3A_169, %mul3A_224 : vector<16xf32>
          %add3A_226 = arith.constant 112 : i32
          %add3A_227 = arith.addi %mul3A_108, %add3A_226 : i32
          %get3A_228 = arith.index_cast %add3A_174 : i32 to index
          %get3A_229 = arith.index_cast %add3A_227 : i32 to index
          %get3A_230 = tpu.vector_load %arg5[%get3A_228, %get3A_229] {strides = array<i32>} : memref<64x768xf32, #tpu.memory_space<vmem>>, vector<16xf32>,
          %mul3A_231 = arith.mulf %get3A_230, %get3A_176 : vector<16xf32>
          %add3A_232 = arith.addf %scan3A_170, %mul3A_231 : vector<16xf32>
          %mul3A_233 = arith.constant 8 : i32
          %mul3A_234 = arith.muli %scan3A_162, %mul3A_233 : i32
          %add3A_235 = arith.constant 1 : i32
          %add3A_236 = arith.addi %mul3A_234, %add3A_235 : i32
          %get3A_237 = arith.index_cast %add3A_236 : i32 to index
          %get3A_238 = arith.constant 0 : index
          %get3A_239 = tpu.vector_load %arg9[%get3A_237, %get3A_238] {strides = array<i32>} : memref<64x16xf32, #tpu.memory_space<vmem>>, vector<16xf32>,
          %add3A_240 = arith.constant 0 : i32
          %add3A_241 = arith.addi %mul3A_108, %add3A_240 : i32
          %get3A_242 = arith.index_cast %add3A_236 : i32 to index
          %get3A_243 = arith.index_cast %add3A_241 : i32 to index
          %get3A_244 = tpu.vector_load %arg5[%get3A_242, %get3A_243] {strides = array<i32>} : memref<64x768xf32, #tpu.memory_space<vmem>>, vector<16xf32>,
          %mul3A_245 = arith.mulf %get3A_244, %get3A_239 : vector<16xf32>
          %add3A_246 = arith.addf %add3A_183, %mul3A_245 : vector<16xf32>
          %add3A_247 = arith.constant 16 : i32
          %add3A_248 = arith.addi %mul3A_108, %add3A_247 : i32
          %get3A_249 = arith.index_cast %add3A_236 : i32 to index
          %get3A_250 = arith.index_cast %add3A_248 : i32 to index
          %get3A_251 = tpu.vector_load %arg5[%get3A_249, %get3A_250] {strides = array<i32>} : memref<64x768xf32, #tpu.memory_space<vmem>>, vector<16xf32>,
          %mul3A_252 = arith.mulf %get3A_251, %get3A_239 : vector<16xf32>
          %add3A_253 = arith.addf %add3A_190, %mul3A_252 : vector<16xf32>
          %add3A_254 = arith.constant 32 : i32
          %add3A_255 = arith.addi %mul3A_108, %add3A_254 : i32
          %get3A_256 = arith.index_cast %add3A_236 : i32 to index
          %get3A_257 = arith.index_cast %add3A_255 : i32 to index
          %get3A_258 = tpu.vector_load %arg5[%get3A_256, %get3A_257] {strides = array<i32>} : memref<64x768xf32, #tpu.memory_space<vmem>>, vector<16xf32>,
          %mul3A_259 = arith.mulf %get3A_258, %get3A_239 : vector<16xf32>
          %add3A_260 = arith.addf %add3A_197, %mul3A_259 : vector<16xf32>
          %add3A_261 = arith.constant 48 : i32
          %add3A_262 = arith.addi %mul3A_108, %add3A_261 : i32
          %get3A_263 = arith.index_cast %add3A_236 : i32 to index
          %get3A_264 = arith.index_cast %add3A_262 : i32 to index
          %get3A_265 = tpu.vector_load %arg5[%get3A_263, %get3A_264] {strides = array<i32>} : memref<64x768xf32, #tpu.memory_space<vmem>>, vector<16xf32>,
          %mul3A_266 = arith.mulf %get3A_265, %get3A_239 : vector<16xf32>
          %add3A_267 = arith.addf %add3A_204, %mul3A_266 : vector<16xf32>
          %add3A_268 = arith.constant 64 : i32
          %add3A_269 = arith.addi %mul3A_108, %add3A_268 : i32
          %get3A_270 = arith.index_cast %add3A_236 : i32 to index
          %get3A_271 = arith.index_cast %add3A_269 : i32 to index
          %get3A_272 = tpu.vector_load %arg5[%get3A_270, %get3A_271] {strides = array<i32>} : memref<64x768xf32, #tpu.memory_space<vmem>>, vector<16xf32>,
          %mul3A_273 = arith.mulf %get3A_272, %get3A_239 : vector<16xf32>
          %add3A_274 = arith.addf %add3A_211, %mul3A_273 : vector<16xf32>
          %add3A_275 = arith.constant 80 : i32
          %add3A_276 = arith.addi %mul3A_108, %add3A_275 : i32
          %get3A_277 = arith.index_cast %add3A_236 : i32 to index
          %get3A_278 = arith.index_cast %add3A_276 : i32 to index
          %get3A_279 = tpu.vector_load %arg5[%get3A_277, %get3A_278] {strides = array<i32>} : memref<64x768xf32, #tpu.memory_space<vmem>>, vector<16xf32>,
          %mul3A_280 = arith.mulf %get3A_279, %get3A_239 : vector<16xf32>
          %add3A_281 = arith.addf %add3A_218, %mul3A_280 : vector<16xf32>
          %add3A_282 = arith.constant 96 : i32
          %add3A_283 = arith.addi %mul3A_108, %add3A_282 : i32
          %get3A_284 = arith.index_cast %add3A_236 : i32 to index
          %get3A_285 = arith.index_cast %add3A_283 : i32 to index
          %get3A_286 = tpu.vector_load %arg5[%get3A_284, %get3A_285] {strides = array<i32>} : memref<64x768xf32, #tpu.memory_space<vmem>>, vector<16xf32>,
          %mul3A_287 = arith.mulf %get3A_286, %get3A_239 : vector<16xf32>
          %add3A_288 = arith.addf %add3A_225, %mul3A_287 : vector<16xf32>
          %add3A_289 = arith.constant 112 : i32
          %add3A_290 = arith.addi %mul3A_108, %add3A_289 : i32
          %get3A_291 = arith.index_cast %add3A_236 : i32 to index
          %get3A_292 = arith.index_cast %add3A_290 : i32 to index
          %get3A_293 = tpu.vector_load %arg5[%get3A_291, %get3A_292] {strides = array<i32>} : memref<64x768xf32, #tpu.memory_space<vmem>>, vector<16xf32>,
          %mul3A_294 = arith.mulf %get3A_293, %get3A_239 : vector<16xf32>
          %add3A_295 = arith.addf %add3A_232, %mul3A_294 : vector<16xf32>
          %mul3A_296 = arith.constant 8 : i32
          %mul3A_297 = arith.muli %scan3A_162, %mul3A_296 : i32
          %add3A_298 = arith.constant 2 : i32
          %add3A_299 = arith.addi %mul3A_297, %add3A_298 : i32
          %get3A_300 = arith.index_cast %add3A_299 : i32 to index
          %get3A_301 = arith.constant 0 : index
          %get3A_302 = tpu.vector_load %arg9[%get3A_300, %get3A_301] {strides = array<i32>} : memref<64x16xf32, #tpu.memory_space<vmem>>, vector<16xf32>,
          %add3A_303 = arith.constant 0 : i32
          %add3A_304 = arith.addi %mul3A_108, %add3A_303 : i32
          %get3A_305 = arith.index_cast %add3A_299 : i32 to index
          %get3A_306 = arith.index_cast %add3A_304 : i32 to index
          %get3A_307 = tpu.vector_load %arg5[%get3A_305, %get3A_306] {strides = array<i32>} : memref<64x768xf32, #tpu.memory_space<vmem>>, vector<16xf32>,
          %mul3A_308 = arith.mulf %get3A_307, %get3A_302 : vector<16xf32>
          %add3A_309 = arith.addf %add3A_246, %mul3A_308 : vector<16xf32>
          %add3A_310 = arith.constant 16 : i32
          %add3A_311 = arith.addi %mul3A_108, %add3A_310 : i32
          %get3A_312 = arith.index_cast %add3A_299 : i32 to index
          %get3A_313 = arith.index_cast %add3A_311 : i32 to index
          %get3A_314 = tpu.vector_load %arg5[%get3A_312, %get3A_313] {strides = array<i32>} : memref<64x768xf32, #tpu.memory_space<vmem>>, vector<16xf32>,
          %mul3A_315 = arith.mulf %get3A_314, %get3A_302 : vector<16xf32>
          %add3A_316 = arith.addf %add3A_253, %mul3A_315 : vector<16xf32>
          %add3A_317 = arith.constant 32 : i32
          %add3A_318 = arith.addi %mul3A_108, %add3A_317 : i32
          %get3A_319 = arith.index_cast %add3A_299 : i32 to index
          %get3A_320 = arith.index_cast %add3A_318 : i32 to index
          %get3A_321 = tpu.vector_load %arg5[%get3A_319, %get3A_320] {strides = array<i32>} : memref<64x768xf32, #tpu.memory_space<vmem>>, vector<16xf32>,
          %mul3A_322 = arith.mulf %get3A_321, %get3A_302 : vector<16xf32>
          %add3A_323 = arith.addf %add3A_260, %mul3A_322 : vector<16xf32>
          %add3A_324 = arith.constant 48 : i32
          %add3A_325 = arith.addi %mul3A_108, %add3A_324 : i32
          %get3A_326 = arith.index_cast %add3A_299 : i32 to index
          %get3A_327 = arith.index_cast %add3A_325 : i32 to index
          %get3A_328 = tpu.vector_load %arg5[%get3A_326, %get3A_327] {strides = array<i32>} : memref<64x768xf32, #tpu.memory_space<vmem>>, vector<16xf32>,
          %mul3A_329 = arith.mulf %get3A_328, %get3A_302 : vector<16xf32>
          %add3A_330 = arith.addf %add3A_267, %mul3A_329 : vector<16xf32>
          %add3A_331 = arith.constant 64 : i32
          %add3A_332 = arith.addi %mul3A_108, %add3A_331 : i32
          %get3A_333 = arith.index_cast %add3A_299 : i32 to index
          %get3A_334 = arith.index_cast %add3A_332 : i32 to index
          %get3A_335 = tpu.vector_load %arg5[%get3A_333, %get3A_334] {strides = array<i32>} : memref<64x768xf32, #tpu.memory_space<vmem>>, vector<16xf32>,
          %mul3A_336 = arith.mulf %get3A_335, %get3A_302 : vector<16xf32>
          %add3A_337 = arith.addf %add3A_274, %mul3A_336 : vector<16xf32>
          %add3A_338 = arith.constant 80 : i32
          %add3A_339 = arith.addi %mul3A_108, %add3A_338 : i32
          %get3A_340 = arith.index_cast %add3A_299 : i32 to index
          %get3A_341 = arith.index_cast %add3A_339 : i32 to index
          %get3A_342 = tpu.vector_load %arg5[%get3A_340, %get3A_341] {strides = array<i32>} : memref<64x768xf32, #tpu.memory_space<vmem>>, vector<16xf32>,
          %mul3A_343 = arith.mulf %get3A_342, %get3A_302 : vector<16xf32>
          %add3A_344 = arith.addf %add3A_281, %mul3A_343 : vector<16xf32>
          %add3A_345 = arith.constant 96 : i32
          %add3A_346 = arith.addi %mul3A_108, %add3A_345 : i32
          %get3A_347 = arith.index_cast %add3A_299 : i32 to index
          %get3A_348 = arith.index_cast %add3A_346 : i32 to index
          %get3A_349 = tpu.vector_load %arg5[%get3A_347, %get3A_348] {strides = array<i32>} : memref<64x768xf32, #tpu.memory_space<vmem>>, vector<16xf32>,
          %mul3A_350 = arith.mulf %get3A_349, %get3A_302 : vector<16xf32>
          %add3A_351 = arith.addf %add3A_288, %mul3A_350 : vector<16xf32>
          %add3A_352 = arith.constant 112 : i32
          %add3A_353 = arith.addi %mul3A_108, %add3A_352 : i32
          %get3A_354 = arith.index_cast %add3A_299 : i32 to index
          %get3A_355 = arith.index_cast %add3A_353 : i32 to index
          %get3A_356 = tpu.vector_load %arg5[%get3A_354, %get3A_355] {strides = array<i32>} : memref<64x768xf32, #tpu.memory_space<vmem>>, vector<16xf32>,
          %mul3A_357 = arith.mulf %get3A_356, %get3A_302 : vector<16xf32>
          %add3A_358 = arith.addf %add3A_295, %mul3A_357 : vector<16xf32>
          %mul3A_359 = arith.constant 8 : i32
          %mul3A_360 = arith.muli %scan3A_162, %mul3A_359 : i32
          %add3A_361 = arith.constant 3 : i32
          %add3A_362 = arith.addi %mul3A_360, %add3A_361 : i32
          %get3A_363 = arith.index_cast %add3A_362 : i32 to index
          %get3A_364 = arith.constant 0 : index
          %get3A_365 = tpu.vector_load %arg9[%get3A_363, %get3A_364] {strides = array<i32>} : memref<64x16xf32, #tpu.memory_space<vmem>>, vector<16xf32>,
          %add3A_366 = arith.constant 0 : i32
          %add3A_367 = arith.addi %mul3A_108, %add3A_366 : i32
          %get3A_368 = arith.index_cast %add3A_362 : i32 to index
          %get3A_369 = arith.index_cast %add3A_367 : i32 to index
          %get3A_370 = tpu.vector_load %arg5[%get3A_368, %get3A_369] {strides = array<i32>} : memref<64x768xf32, #tpu.memory_space<vmem>>, vector<16xf32>,
          %mul3A_371 = arith.mulf %get3A_370, %get3A_365 : vector<16xf32>
          %add3A_372 = arith.addf %add3A_309, %mul3A_371 : vector<16xf32>
          %add3A_373 = arith.constant 16 : i32
          %add3A_374 = arith.addi %mul3A_108, %add3A_373 : i32
          %get3A_375 = arith.index_cast %add3A_362 : i32 to index
          %get3A_376 = arith.index_cast %add3A_374 : i32 to index
          %get3A_377 = tpu.vector_load %arg5[%get3A_375, %get3A_376] {strides = array<i32>} : memref<64x768xf32, #tpu.memory_space<vmem>>, vector<16xf32>,
          %mul3A_378 = arith.mulf %get3A_377, %get3A_365 : vector<16xf32>
          %add3A_379 = arith.addf %add3A_316, %mul3A_378 : vector<16xf32>
          %add3A_380 = arith.constant 32 : i32
          %add3A_381 = arith.addi %mul3A_108, %add3A_380 : i32
          %get3A_382 = arith.index_cast %add3A_362 : i32 to index
          %get3A_383 = arith.index_cast %add3A_381 : i32 to index
          %get3A_384 = tpu.vector_load %arg5[%get3A_382, %get3A_383] {strides = array<i32>} : memref<64x768xf32, #tpu.memory_space<vmem>>, vector<16xf32>,
          %mul3A_385 = arith.mulf %get3A_384, %get3A_365 : vector<16xf32>
          %add3A_386 = arith.addf %add3A_323, %mul3A_385 : vector<16xf32>
          %add3A_387 = arith.constant 48 : i32
          %add3A_388 = arith.addi %mul3A_108, %add3A_387 : i32
          %get3A_389 = arith.index_cast %add3A_362 : i32 to index
          %get3A_390 = arith.index_cast %add3A_388 : i32 to index
          %get3A_391 = tpu.vector_load %arg5[%get3A_389, %get3A_390] {strides = array<i32>} : memref<64x768xf32, #tpu.memory_space<vmem>>, vector<16xf32>,
          %mul3A_392 = arith.mulf %get3A_391, %get3A_365 : vector<16xf32>
          %add3A_393 = arith.addf %add3A_330, %mul3A_392 : vector<16xf32>
          %add3A_394 = arith.constant 64 : i32
          %add3A_395 = arith.addi %mul3A_108, %add3A_394 : i32
          %get3A_396 = arith.index_cast %add3A_362 : i32 to index
          %get3A_397 = arith.index_cast %add3A_395 : i32 to index
          %get3A_398 = tpu.vector_load %arg5[%get3A_396, %get3A_397] {strides = array<i32>} : memref<64x768xf32, #tpu.memory_space<vmem>>, vector<16xf32>,
          %mul3A_399 = arith.mulf %get3A_398, %get3A_365 : vector<16xf32>
          %add3A_400 = arith.addf %add3A_337, %mul3A_399 : vector<16xf32>
          %add3A_401 = arith.constant 80 : i32
          %add3A_402 = arith.addi %mul3A_108, %add3A_401 : i32
          %get3A_403 = arith.index_cast %add3A_362 : i32 to index
          %get3A_404 = arith.index_cast %add3A_402 : i32 to index
          %get3A_405 = tpu.vector_load %arg5[%get3A_403, %get3A_404] {strides = array<i32>} : memref<64x768xf32, #tpu.memory_space<vmem>>, vector<16xf32>,
          %mul3A_406 = arith.mulf %get3A_405, %get3A_365 : vector<16xf32>
          %add3A_407 = arith.addf %add3A_344, %mul3A_406 : vector<16xf32>
          %add3A_408 = arith.constant 96 : i32
          %add3A_409 = arith.addi %mul3A_108, %add3A_408 : i32
          %get3A_410 = arith.index_cast %add3A_362 : i32 to index
          %get3A_411 = arith.index_cast %add3A_409 : i32 to index
          %get3A_412 = tpu.vector_load %arg5[%get3A_410, %get3A_411] {strides = array<i32>} : memref<64x768xf32, #tpu.memory_space<vmem>>, vector<16xf32>,
          %mul3A_413 = arith.mulf %get3A_412, %get3A_365 : vector<16xf32>
          %add3A_414 = arith.addf %add3A_351, %mul3A_413 : vector<16xf32>
          %add3A_415 = arith.constant 112 : i32
          %add3A_416 = arith.addi %mul3A_108, %add3A_415 : i32
          %get3A_417 = arith.index_cast %add3A_362 : i32 to index
          %get3A_418 = arith.index_cast %add3A_416 : i32 to index
          %get3A_419 = tpu.vector_load %arg5[%get3A_417, %get3A_418] {strides = array<i32>} : memref<64x768xf32, #tpu.memory_space<vmem>>, vector<16xf32>,
          %mul3A_420 = arith.mulf %get3A_419, %get3A_365 : vector<16xf32>
          %add3A_421 = arith.addf %add3A_358, %mul3A_420 : vector<16xf32>
          %mul3A_422 = arith.constant 8 : i32
          %mul3A_423 = arith.muli %scan3A_162, %mul3A_422 : i32
          %add3A_424 = arith.constant 4 : i32
          %add3A_425 = arith.addi %mul3A_423, %add3A_424 : i32
          %get3A_426 = arith.index_cast %add3A_425 : i32 to index
          %get3A_427 = arith.constant 0 : index
          %get3A_428 = tpu.vector_load %arg9[%get3A_426, %get3A_427] {strides = array<i32>} : memref<64x16xf32, #tpu.memory_space<vmem>>, vector<16xf32>,
          %add3A_429 = arith.constant 0 : i32
          %add3A_430 = arith.addi %mul3A_108, %add3A_429 : i32
          %get3A_431 = arith.index_cast %add3A_425 : i32 to index
          %get3A_432 = arith.index_cast %add3A_430 : i32 to index
          %get3A_433 = tpu.vector_load %arg5[%get3A_431, %get3A_432] {strides = array<i32>} : memref<64x768xf32, #tpu.memory_space<vmem>>, vector<16xf32>,
          %mul3A_434 = arith.mulf %get3A_433, %get3A_428 : vector<16xf32>
          %add3A_435 = arith.addf %add3A_372, %mul3A_434 : vector<16xf32>
          %add3A_436 = arith.constant 16 : i32
          %add3A_437 = arith.addi %mul3A_108, %add3A_436 : i32
          %get3A_438 = arith.index_cast %add3A_425 : i32 to index
          %get3A_439 = arith.index_cast %add3A_437 : i32 to index
          %get3A_440 = tpu.vector_load %arg5[%get3A_438, %get3A_439] {strides = array<i32>} : memref<64x768xf32, #tpu.memory_space<vmem>>, vector<16xf32>,
          %mul3A_441 = arith.mulf %get3A_440, %get3A_428 : vector<16xf32>
          %add3A_442 = arith.addf %add3A_379, %mul3A_441 : vector<16xf32>
          %add3A_443 = arith.constant 32 : i32
          %add3A_444 = arith.addi %mul3A_108, %add3A_443 : i32
          %get3A_445 = arith.index_cast %add3A_425 : i32 to index
          %get3A_446 = arith.index_cast %add3A_444 : i32 to index
          %get3A_447 = tpu.vector_load %arg5[%get3A_445, %get3A_446] {strides = array<i32>} : memref<64x768xf32, #tpu.memory_space<vmem>>, vector<16xf32>,
          %mul3A_448 = arith.mulf %get3A_447, %get3A_428 : vector<16xf32>
          %add3A_449 = arith.addf %add3A_386, %mul3A_448 : vector<16xf32>
          %add3A_450 = arith.constant 48 : i32
          %add3A_451 = arith.addi %mul3A_108, %add3A_450 : i32
          %get3A_452 = arith.index_cast %add3A_425 : i32 to index
          %get3A_453 = arith.index_cast %add3A_451 : i32 to index
          %get3A_454 = tpu.vector_load %arg5[%get3A_452, %get3A_453] {strides = array<i32>} : memref<64x768xf32, #tpu.memory_space<vmem>>, vector<16xf32>,
          %mul3A_455 = arith.mulf %get3A_454, %get3A_428 : vector<16xf32>
          %add3A_456 = arith.addf %add3A_393, %mul3A_455 : vector<16xf32>
          %add3A_457 = arith.constant 64 : i32
          %add3A_458 = arith.addi %mul3A_108, %add3A_457 : i32
          %get3A_459 = arith.index_cast %add3A_425 : i32 to index
          %get3A_460 = arith.index_cast %add3A_458 : i32 to index
          %get3A_461 = tpu.vector_load %arg5[%get3A_459, %get3A_460] {strides = array<i32>} : memref<64x768xf32, #tpu.memory_space<vmem>>, vector<16xf32>,
          %mul3A_462 = arith.mulf %get3A_461, %get3A_428 : vector<16xf32>
          %add3A_463 = arith.addf %add3A_400, %mul3A_462 : vector<16xf32>
          %add3A_464 = arith.constant 80 : i32
          %add3A_465 = arith.addi %mul3A_108, %add3A_464 : i32
          %get3A_466 = arith.index_cast %add3A_425 : i32 to index
          %get3A_467 = arith.index_cast %add3A_465 : i32 to index
          %get3A_468 = tpu.vector_load %arg5[%get3A_466, %get3A_467] {strides = array<i32>} : memref<64x768xf32, #tpu.memory_space<vmem>>, vector<16xf32>,
          %mul3A_469 = arith.mulf %get3A_468, %get3A_428 : vector<16xf32>
          %add3A_470 = arith.addf %add3A_407, %mul3A_469 : vector<16xf32>
          %add3A_471 = arith.constant 96 : i32
          %add3A_472 = arith.addi %mul3A_108, %add3A_471 : i32
          %get3A_473 = arith.index_cast %add3A_425 : i32 to index
          %get3A_474 = arith.index_cast %add3A_472 : i32 to index
          %get3A_475 = tpu.vector_load %arg5[%get3A_473, %get3A_474] {strides = array<i32>} : memref<64x768xf32, #tpu.memory_space<vmem>>, vector<16xf32>,
          %mul3A_476 = arith.mulf %get3A_475, %get3A_428 : vector<16xf32>
          %add3A_477 = arith.addf %add3A_414, %mul3A_476 : vector<16xf32>
          %add3A_478 = arith.constant 112 : i32
          %add3A_479 = arith.addi %mul3A_108, %add3A_478 : i32
          %get3A_480 = arith.index_cast %add3A_425 : i32 to index
          %get3A_481 = arith.index_cast %add3A_479 : i32 to index
          %get3A_482 = tpu.vector_load %arg5[%get3A_480, %get3A_481] {strides = array<i32>} : memref<64x768xf32, #tpu.memory_space<vmem>>, vector<16xf32>,
          %mul3A_483 = arith.mulf %get3A_482, %get3A_428 : vector<16xf32>
          %add3A_484 = arith.addf %add3A_421, %mul3A_483 : vector<16xf32>
          %mul3A_485 = arith.constant 8 : i32
          %mul3A_486 = arith.muli %scan3A_162, %mul3A_485 : i32
          %add3A_487 = arith.constant 5 : i32
          %add3A_488 = arith.addi %mul3A_486, %add3A_487 : i32
          %get3A_489 = arith.index_cast %add3A_488 : i32 to index
          %get3A_490 = arith.constant 0 : index
          %get3A_491 = tpu.vector_load %arg9[%get3A_489, %get3A_490] {strides = array<i32>} : memref<64x16xf32, #tpu.memory_space<vmem>>, vector<16xf32>,
          %add3A_492 = arith.constant 0 : i32
          %add3A_493 = arith.addi %mul3A_108, %add3A_492 : i32
          %get3A_494 = arith.index_cast %add3A_488 : i32 to index
          %get3A_495 = arith.index_cast %add3A_493 : i32 to index
          %get3A_496 = tpu.vector_load %arg5[%get3A_494, %get3A_495] {strides = array<i32>} : memref<64x768xf32, #tpu.memory_space<vmem>>, vector<16xf32>,
          %mul3A_497 = arith.mulf %get3A_496, %get3A_491 : vector<16xf32>
          %add3A_498 = arith.addf %add3A_435, %mul3A_497 : vector<16xf32>
          %add3A_499 = arith.constant 16 : i32
          %add3A_500 = arith.addi %mul3A_108, %add3A_499 : i32
          %get3A_501 = arith.index_cast %add3A_488 : i32 to index
          %get3A_502 = arith.index_cast %add3A_500 : i32 to index
          %get3A_503 = tpu.vector_load %arg5[%get3A_501, %get3A_502] {strides = array<i32>} : memref<64x768xf32, #tpu.memory_space<vmem>>, vector<16xf32>,
          %mul3A_504 = arith.mulf %get3A_503, %get3A_491 : vector<16xf32>
          %add3A_505 = arith.addf %add3A_442, %mul3A_504 : vector<16xf32>
          %add3A_506 = arith.constant 32 : i32
          %add3A_507 = arith.addi %mul3A_108, %add3A_506 : i32
          %get3A_508 = arith.index_cast %add3A_488 : i32 to index
          %get3A_509 = arith.index_cast %add3A_507 : i32 to index
          %get3A_510 = tpu.vector_load %arg5[%get3A_508, %get3A_509] {strides = array<i32>} : memref<64x768xf32, #tpu.memory_space<vmem>>, vector<16xf32>,
          %mul3A_511 = arith.mulf %get3A_510, %get3A_491 : vector<16xf32>
          %add3A_512 = arith.addf %add3A_449, %mul3A_511 : vector<16xf32>
          %add3A_513 = arith.constant 48 : i32
          %add3A_514 = arith.addi %mul3A_108, %add3A_513 : i32
          %get3A_515 = arith.index_cast %add3A_488 : i32 to index
          %get3A_516 = arith.index_cast %add3A_514 : i32 to index
          %get3A_517 = tpu.vector_load %arg5[%get3A_515, %get3A_516] {strides = array<i32>} : memref<64x768xf32, #tpu.memory_space<vmem>>, vector<16xf32>,
          %mul3A_518 = arith.mulf %get3A_517, %get3A_491 : vector<16xf32>
          %add3A_519 = arith.addf %add3A_456, %mul3A_518 : vector<16xf32>
          %add3A_520 = arith.constant 64 : i32
          %add3A_521 = arith.addi %mul3A_108, %add3A_520 : i32
          %get3A_522 = arith.index_cast %add3A_488 : i32 to index
          %get3A_523 = arith.index_cast %add3A_521 : i32 to index
          %get3A_524 = tpu.vector_load %arg5[%get3A_522, %get3A_523] {strides = array<i32>} : memref<64x768xf32, #tpu.memory_space<vmem>>, vector<16xf32>,
          %mul3A_525 = arith.mulf %get3A_524, %get3A_491 : vector<16xf32>
          %add3A_526 = arith.addf %add3A_463, %mul3A_525 : vector<16xf32>
          %add3A_527 = arith.constant 80 : i32
          %add3A_528 = arith.addi %mul3A_108, %add3A_527 : i32
          %get3A_529 = arith.index_cast %add3A_488 : i32 to index
          %get3A_530 = arith.index_cast %add3A_528 : i32 to index
          %get3A_531 = tpu.vector_load %arg5[%get3A_529, %get3A_530] {strides = array<i32>} : memref<64x768xf32, #tpu.memory_space<vmem>>, vector<16xf32>,
          %mul3A_532 = arith.mulf %get3A_531, %get3A_491 : vector<16xf32>
          %add3A_533 = arith.addf %add3A_470, %mul3A_532 : vector<16xf32>
          %add3A_534 = arith.constant 96 : i32
          %add3A_535 = arith.addi %mul3A_108, %add3A_534 : i32
          %get3A_536 = arith.index_cast %add3A_488 : i32 to index
          %get3A_537 = arith.index_cast %add3A_535 : i32 to index
          %get3A_538 = tpu.vector_load %arg5[%get3A_536, %get3A_537] {strides = array<i32>} : memref<64x768xf32, #tpu.memory_space<vmem>>, vector<16xf32>,
          %mul3A_539 = arith.mulf %get3A_538, %get3A_491 : vector<16xf32>
          %add3A_540 = arith.addf %add3A_477, %mul3A_539 : vector<16xf32>
          %add3A_541 = arith.constant 112 : i32
          %add3A_542 = arith.addi %mul3A_108, %add3A_541 : i32
          %get3A_543 = arith.index_cast %add3A_488 : i32 to index
          %get3A_544 = arith.index_cast %add3A_542 : i32 to index
          %get3A_545 = tpu.vector_load %arg5[%get3A_543, %get3A_544] {strides = array<i32>} : memref<64x768xf32, #tpu.memory_space<vmem>>, vector<16xf32>,
          %mul3A_546 = arith.mulf %get3A_545, %get3A_491 : vector<16xf32>
          %add3A_547 = arith.addf %add3A_484, %mul3A_546 : vector<16xf32>
          %mul3A_548 = arith.constant 8 : i32
          %mul3A_549 = arith.muli %scan3A_162, %mul3A_548 : i32
          %add3A_550 = arith.constant 6 : i32
          %add3A_551 = arith.addi %mul3A_549, %add3A_550 : i32
          %get3A_552 = arith.index_cast %add3A_551 : i32 to index
          %get3A_553 = arith.constant 0 : index
          %get3A_554 = tpu.vector_load %arg9[%get3A_552, %get3A_553] {strides = array<i32>} : memref<64x16xf32, #tpu.memory_space<vmem>>, vector<16xf32>,
          %add3A_555 = arith.constant 0 : i32
          %add3A_556 = arith.addi %mul3A_108, %add3A_555 : i32
          %get3A_557 = arith.index_cast %add3A_551 : i32 to index
          %get3A_558 = arith.index_cast %add3A_556 : i32 to index
          %get3A_559 = tpu.vector_load %arg5[%get3A_557, %get3A_558] {strides = array<i32>} : memref<64x768xf32, #tpu.memory_space<vmem>>, vector<16xf32>,
          %mul3A_560 = arith.mulf %get3A_559, %get3A_554 : vector<16xf32>
          %add3A_561 = arith.addf %add3A_498, %mul3A_560 : vector<16xf32>
          %add3A_562 = arith.constant 16 : i32
          %add3A_563 = arith.addi %mul3A_108, %add3A_562 : i32
          %get3A_564 = arith.index_cast %add3A_551 : i32 to index
          %get3A_565 = arith.index_cast %add3A_563 : i32 to index
          %get3A_566 = tpu.vector_load %arg5[%get3A_564, %get3A_565] {strides = array<i32>} : memref<64x768xf32, #tpu.memory_space<vmem>>, vector<16xf32>,
          %mul3A_567 = arith.mulf %get3A_566, %get3A_554 : vector<16xf32>
          %add3A_568 = arith.addf %add3A_505, %mul3A_567 : vector<16xf32>
          %add3A_569 = arith.constant 32 : i32
          %add3A_570 = arith.addi %mul3A_108, %add3A_569 : i32
          %get3A_571 = arith.index_cast %add3A_551 : i32 to index
          %get3A_572 = arith.index_cast %add3A_570 : i32 to index
          %get3A_573 = tpu.vector_load %arg5[%get3A_571, %get3A_572] {strides = array<i32>} : memref<64x768xf32, #tpu.memory_space<vmem>>, vector<16xf32>,
          %mul3A_574 = arith.mulf %get3A_573, %get3A_554 : vector<16xf32>
          %add3A_575 = arith.addf %add3A_512, %mul3A_574 : vector<16xf32>
          %add3A_576 = arith.constant 48 : i32
          %add3A_577 = arith.addi %mul3A_108, %add3A_576 : i32
          %get3A_578 = arith.index_cast %add3A_551 : i32 to index
          %get3A_579 = arith.index_cast %add3A_577 : i32 to index
          %get3A_580 = tpu.vector_load %arg5[%get3A_578, %get3A_579] {strides = array<i32>} : memref<64x768xf32, #tpu.memory_space<vmem>>, vector<16xf32>,
          %mul3A_581 = arith.mulf %get3A_580, %get3A_554 : vector<16xf32>
          %add3A_582 = arith.addf %add3A_519, %mul3A_581 : vector<16xf32>
          %add3A_583 = arith.constant 64 : i32
          %add3A_584 = arith.addi %mul3A_108, %add3A_583 : i32
          %get3A_585 = arith.index_cast %add3A_551 : i32 to index
          %get3A_586 = arith.index_cast %add3A_584 : i32 to index
          %get3A_587 = tpu.vector_load %arg5[%get3A_585, %get3A_586] {strides = array<i32>} : memref<64x768xf32, #tpu.memory_space<vmem>>, vector<16xf32>,
          %mul3A_588 = arith.mulf %get3A_587, %get3A_554 : vector<16xf32>
          %add3A_589 = arith.addf %add3A_526, %mul3A_588 : vector<16xf32>
          %add3A_590 = arith.constant 80 : i32
          %add3A_591 = arith.addi %mul3A_108, %add3A_590 : i32
          %get3A_592 = arith.index_cast %add3A_551 : i32 to index
          %get3A_593 = arith.index_cast %add3A_591 : i32 to index
          %get3A_594 = tpu.vector_load %arg5[%get3A_592, %get3A_593] {strides = array<i32>} : memref<64x768xf32, #tpu.memory_space<vmem>>, vector<16xf32>,
          %mul3A_595 = arith.mulf %get3A_594, %get3A_554 : vector<16xf32>
          %add3A_596 = arith.addf %add3A_533, %mul3A_595 : vector<16xf32>
          %add3A_597 = arith.constant 96 : i32
          %add3A_598 = arith.addi %mul3A_108, %add3A_597 : i32
          %get3A_599 = arith.index_cast %add3A_551 : i32 to index
          %get3A_600 = arith.index_cast %add3A_598 : i32 to index
          %get3A_601 = tpu.vector_load %arg5[%get3A_599, %get3A_600] {strides = array<i32>} : memref<64x768xf32, #tpu.memory_space<vmem>>, vector<16xf32>,
          %mul3A_602 = arith.mulf %get3A_601, %get3A_554 : vector<16xf32>
          %add3A_603 = arith.addf %add3A_540, %mul3A_602 : vector<16xf32>
          %add3A_604 = arith.constant 112 : i32
          %add3A_605 = arith.addi %mul3A_108, %add3A_604 : i32
          %get3A_606 = arith.index_cast %add3A_551 : i32 to index
          %get3A_607 = arith.index_cast %add3A_605 : i32 to index
          %get3A_608 = tpu.vector_load %arg5[%get3A_606, %get3A_607] {strides = array<i32>} : memref<64x768xf32, #tpu.memory_space<vmem>>, vector<16xf32>,
          %mul3A_609 = arith.mulf %get3A_608, %get3A_554 : vector<16xf32>
          %add3A_610 = arith.addf %add3A_547, %mul3A_609 : vector<16xf32>
          %mul3A_611 = arith.constant 8 : i32
          %mul3A_612 = arith.muli %scan3A_162, %mul3A_611 : i32
          %add3A_613 = arith.constant 7 : i32
          %add3A_614 = arith.addi %mul3A_612, %add3A_613 : i32
          %get3A_615 = arith.index_cast %add3A_614 : i32 to index
          %get3A_616 = arith.constant 0 : index
          %get3A_617 = tpu.vector_load %arg9[%get3A_615, %get3A_616] {strides = array<i32>} : memref<64x16xf32, #tpu.memory_space<vmem>>, vector<16xf32>,
          %add3A_618 = arith.constant 0 : i32
          %add3A_619 = arith.addi %mul3A_108, %add3A_618 : i32
          %get3A_620 = arith.index_cast %add3A_614 : i32 to index
          %get3A_621 = arith.index_cast %add3A_619 : i32 to index
          %get3A_622 = tpu.vector_load %arg5[%get3A_620, %get3A_621] {strides = array<i32>} : memref<64x768xf32, #tpu.memory_space<vmem>>, vector<16xf32>,
          %mul3A_623 = arith.mulf %get3A_622, %get3A_617 : vector<16xf32>
          %add3A_624 = arith.addf %add3A_561, %mul3A_623 : vector<16xf32>
          %add3A_625 = arith.constant 16 : i32
          %add3A_626 = arith.addi %mul3A_108, %add3A_625 : i32
          %get3A_627 = arith.index_cast %add3A_614 : i32 to index
          %get3A_628 = arith.index_cast %add3A_626 : i32 to index
          %get3A_629 = tpu.vector_load %arg5[%get3A_627, %get3A_628] {strides = array<i32>} : memref<64x768xf32, #tpu.memory_space<vmem>>, vector<16xf32>,
          %mul3A_630 = arith.mulf %get3A_629, %get3A_617 : vector<16xf32>
          %add3A_631 = arith.addf %add3A_568, %mul3A_630 : vector<16xf32>
          %add3A_632 = arith.constant 32 : i32
          %add3A_633 = arith.addi %mul3A_108, %add3A_632 : i32
          %get3A_634 = arith.index_cast %add3A_614 : i32 to index
          %get3A_635 = arith.index_cast %add3A_633 : i32 to index
          %get3A_636 = tpu.vector_load %arg5[%get3A_634, %get3A_635] {strides = array<i32>} : memref<64x768xf32, #tpu.memory_space<vmem>>, vector<16xf32>,
          %mul3A_637 = arith.mulf %get3A_636, %get3A_617 : vector<16xf32>
          %add3A_638 = arith.addf %add3A_575, %mul3A_637 : vector<16xf32>
          %add3A_639 = arith.constant 48 : i32
          %add3A_640 = arith.addi %mul3A_108, %add3A_639 : i32
          %get3A_641 = arith.index_cast %add3A_614 : i32 to index
          %get3A_642 = arith.index_cast %add3A_640 : i32 to index
          %get3A_643 = tpu.vector_load %arg5[%get3A_641, %get3A_642] {strides = array<i32>} : memref<64x768xf32, #tpu.memory_space<vmem>>, vector<16xf32>,
          %mul3A_644 = arith.mulf %get3A_643, %get3A_617 : vector<16xf32>
          %add3A_645 = arith.addf %add3A_582, %mul3A_644 : vector<16xf32>
          %add3A_646 = arith.constant 64 : i32
          %add3A_647 = arith.addi %mul3A_108, %add3A_646 : i32
          %get3A_648 = arith.index_cast %add3A_614 : i32 to index
          %get3A_649 = arith.index_cast %add3A_647 : i32 to index
          %get3A_650 = tpu.vector_load %arg5[%get3A_648, %get3A_649] {strides = array<i32>} : memref<64x768xf32, #tpu.memory_space<vmem>>, vector<16xf32>,
          %mul3A_651 = arith.mulf %get3A_650, %get3A_617 : vector<16xf32>
          %add3A_652 = arith.addf %add3A_589, %mul3A_651 : vector<16xf32>
          %add3A_653 = arith.constant 80 : i32
          %add3A_654 = arith.addi %mul3A_108, %add3A_653 : i32
          %get3A_655 = arith.index_cast %add3A_614 : i32 to index
          %get3A_656 = arith.index_cast %add3A_654 : i32 to index
          %get3A_657 = tpu.vector_load %arg5[%get3A_655, %get3A_656] {strides = array<i32>} : memref<64x768xf32, #tpu.memory_space<vmem>>, vector<16xf32>,
          %mul3A_658 = arith.mulf %get3A_657, %get3A_617 : vector<16xf32>
          %add3A_659 = arith.addf %add3A_596, %mul3A_658 : vector<16xf32>
          %add3A_660 = arith.constant 96 : i32
          %add3A_661 = arith.addi %mul3A_108, %add3A_660 : i32
          %get3A_662 = arith.index_cast %add3A_614 : i32 to index
          %get3A_663 = arith.index_cast %add3A_661 : i32 to index
          %get3A_664 = tpu.vector_load %arg5[%get3A_662, %get3A_663] {strides = array<i32>} : memref<64x768xf32, #tpu.memory_space<vmem>>, vector<16xf32>,
          %mul3A_665 = arith.mulf %get3A_664, %get3A_617 : vector<16xf32>
          %add3A_666 = arith.addf %add3A_603, %mul3A_665 : vector<16xf32>
          %add3A_667 = arith.constant 112 : i32
          %add3A_668 = arith.addi %mul3A_108, %add3A_667 : i32
          %get3A_669 = arith.index_cast %add3A_614 : i32 to index
          %get3A_670 = arith.index_cast %add3A_668 : i32 to index
          %get3A_671 = tpu.vector_load %arg5[%get3A_669, %get3A_670] {strides = array<i32>} : memref<64x768xf32, #tpu.memory_space<vmem>>, vector<16xf32>,
          %mul3A_672 = arith.mulf %get3A_671, %get3A_617 : vector<16xf32>
          %add3A_673 = arith.addf %add3A_610, %mul3A_672 : vector<16xf32>
          scf.yield %add3A_624, %add3A_631, %add3A_638, %add3A_645, %add3A_652, %add3A_659, %add3A_666, %add3A_673 : vector<16xf32>, vector<16xf32>, vector<16xf32>, vector<16xf32>, vector<16xf32>, vector<16xf32>, vector<16xf32>, vector<16xf32>
        }
        %scan3A_129 = arith.constant 8 : i32
        %add3A_130 = arith.constant 0 : i32
        %add3A_131 = arith.addi %mul3A_108, %add3A_130 : i32
        %swap3A = arith.index_cast %add3A_131 : i32 to index
        %swap3A_132 = tpu.vector_load %arg7[%swap3A] {strides = array<i32>} : memref<768xf32, #tpu.memory_space<vmem>>, vector<16xf32>,
        tpu.vector_store %arg7[%swap3A], %scan3A_128#0 {strides = array<i32>} : memref<768xf32, #tpu.memory_space<vmem>>, vector<16xf32>,
        %add3A_133 = arith.constant 16 : i32
        %add3A_134 = arith.addi %mul3A_108, %add3A_133 : i32
        %swap3A_135 = arith.index_cast %add3A_134 : i32 to index
        %swap3A_136 = tpu.vector_load %arg7[%swap3A_135] {strides = array<i32>} : memref<768xf32, #tpu.memory_space<vmem>>, vector<16xf32>,
        tpu.vector_store %arg7[%swap3A_135], %scan3A_128#1 {strides = array<i32>} : memref<768xf32, #tpu.memory_space<vmem>>, vector<16xf32>,
        %add3A_137 = arith.constant 32 : i32
        %add3A_138 = arith.addi %mul3A_108, %add3A_137 : i32
        %swap3A_139 = arith.index_cast %add3A_138 : i32 to index
        %swap3A_140 = tpu.vector_load %arg7[%swap3A_139] {strides = array<i32>} : memref<768xf32, #tpu.memory_space<vmem>>, vector<16xf32>,
        tpu.vector_store %arg7[%swap3A_139], %scan3A_128#2 {strides = array<i32>} : memref<768xf32, #tpu.memory_space<vmem>>, vector<16xf32>,
        %add3A_141 = arith.constant 48 : i32
        %add3A_142 = arith.addi %mul3A_108, %add3A_141 : i32
        %swap3A_143 = arith.index_cast %add3A_142 : i32 to index
        %swap3A_144 = tpu.vector_load %arg7[%swap3A_143] {strides = array<i32>} : memref<768xf32, #tpu.memory_space<vmem>>, vector<16xf32>,
        tpu.vector_store %arg7[%swap3A_143], %scan3A_128#3 {strides = array<i32>} : memref<768xf32, #tpu.memory_space<vmem>>, vector<16xf32>,
        %add3A_145 = arith.constant 64 : i32
        %add3A_146 = arith.addi %mul3A_108, %add3A_145 : i32
        %swap3A_147 = arith.index_cast %add3A_146 : i32 to index
        %swap3A_148 = tpu.vector_load %arg7[%swap3A_147] {strides = array<i32>} : memref<768xf32, #tpu.memory_space<vmem>>, vector<16xf32>,
        tpu.vector_store %arg7[%swap3A_147], %scan3A_128#4 {strides = array<i32>} : memref<768xf32, #tpu.memory_space<vmem>>, vector<16xf32>,
        %add3A_149 = arith.constant 80 : i32
        %add3A_150 = arith.addi %mul3A_108, %add3A_149 : i32
        %swap3A_151 = arith.index_cast %add3A_150 : i32 to index
        %swap3A_152 = tpu.vector_load %arg7[%swap3A_151] {strides = array<i32>} : memref<768xf32, #tpu.memory_space<vmem>>, vector<16xf32>,
        tpu.vector_store %arg7[%swap3A_151], %scan3A_128#5 {strides = array<i32>} : memref<768xf32, #tpu.memory_space<vmem>>, vector<16xf32>,
        %add3A_153 = arith.constant 96 : i32
        %add3A_154 = arith.addi %mul3A_108, %add3A_153 : i32
        %swap3A_155 = arith.index_cast %add3A_154 : i32 to index
        %swap3A_156 = tpu.vector_load %arg7[%swap3A_155] {strides = array<i32>} : memref<768xf32, #tpu.memory_space<vmem>>, vector<16xf32>,
        tpu.vector_store %arg7[%swap3A_155], %scan3A_128#6 {strides = array<i32>} : memref<768xf32, #tpu.memory_space<vmem>>, vector<16xf32>,
        %add3A_157 = arith.constant 112 : i32
        %add3A_158 = arith.addi %mul3A_108, %add3A_157 : i32
        %swap3A_159 = arith.index_cast %add3A_158 : i32 to index
        %swap3A_160 = tpu.vector_load %arg7[%swap3A_159] {strides = array<i32>} : memref<768xf32, #tpu.memory_space<vmem>>, vector<16xf32>,
        tpu.vector_store %arg7[%swap3A_159], %scan3A_128#7 {strides = array<i32>} : memref<768xf32, #tpu.memory_space<vmem>>, vector<16xf32>,
        %scan3A_161 = arith.constant 0 : i32
        scf.yield %scan3A_161 : i32
      }
      %scan3A_55 = arith.constant 6 : i32
      %mul3A_56 = arith.constant 32 : i32
      %mul3A_57 = arith.muli %mul3A_56, %add3A_30 : i32
      %add3A_58 = arith.addi %add3A, %mul3A_57 : i32
      %mul3A_59 = arith.constant 768 : i32
      %mul3A_60 = arith.muli %add3A_58, %mul3A_59 : i32
      %dma_start3A_61 = tpu.memref_slice %arg4[%mul3A_60] : memref<196608xf32, #tpu.memory_space<hbm>> -> memref<768xf32, #tpu.memory_space<hbm>>
      %dma_start3A_62 = tpu.memref_slice %arg4[%mul3A_60] : memref<196608xf32, #tpu.memory_space<hbm>> -> memref<768xf32, #tpu.memory_space<hbm>>
      tpu.enqueue_dma source(%arg7 : memref<768xf32, #tpu.memory_space<vmem>>) target(%dma_start3A_62 : memref<768xf32, #tpu.memory_space<hbm>>) target_semaphore(%arg12 : memref<!tpu.dma_semaphore, #tpu.memory_space<semaphore_mem>>)
      %mul3A_63 = arith.constant 2 : i32
      %mul3A_64 = arith.muli %mul3A_63, %scan3A_25 : i32
      %add3A_65 = arith.constant 1 : i32
      %add3A_66 = arith.addi %mul3A_64, %add3A_65 : i32
      %add3A_67 = arith.constant 1 : i32
      %add3A_68 = arith.addi %add3A_66, %add3A_67 : i32
      %lt3A_69 = arith.constant 8 : i32
      %lt3A_70 = arith.cmpi slt, %add3A_68, %lt3A_69 : i32
      %convert_element_type3A_71 = arith.extui %lt3A_70 : i1 to i32
      %cond3A_72 = arith.constant 0 : i32
      %cond3A_73 = arith.cmpi ne, %convert_element_type3A_71, %cond3A_72 : i32
      scf.if %cond3A_73 {
        %add3A_105 = arith.constant 1 : i32
        %add3A_106 = arith.addi %add3A_66, %add3A_105 : i32
        %mul3A_107 = arith.constant 32 : i32
        %mul3A_108 = arith.muli %mul3A_107, %add3A_106 : i32
        %add3A_109 = arith.addi %add3A, %mul3A_108 : i32
        %mul3A_110 = arith.constant 768 : i32
        %mul3A_111 = arith.muli %add3A_109, %mul3A_110 : i32
        %dma_start3A_112 = arith.constant 0 : i32
        %dma_start3A_113 = tpu.memref_slice %arg2[%dma_start3A_112, %mul3A_111] : memref<64x1000000xf32, #tpu.memory_space<hbm>> -> memref<64x768xf32, #tpu.memory_space<hbm>>
        %dma_start3A_114 = arith.constant 0 : i32
        %dma_start3A_115 = tpu.memref_slice %arg2[%dma_start3A_114, %mul3A_111] : memref<64x1000000xf32, #tpu.memory_space<hbm>> -> memref<64x768xf32, #tpu.memory_space<hbm>>
        tpu.enqueue_dma source(%dma_start3A_115 : memref<64x768xf32, #tpu.memory_space<hbm>>) target(%arg5 : memref<64x768xf32, #tpu.memory_space<vmem>>) target_semaphore(%arg10 : memref<!tpu.dma_semaphore, #tpu.memory_space<semaphore_mem>>)
      } else {
      }
      %mul3A_74 = arith.constant 32 : i32
      %mul3A_75 = arith.muli %mul3A_74, %add3A_66 : i32
      %add3A_76 = arith.addi %add3A, %mul3A_75 : i32
      %mul3A_77 = arith.constant 768 : i32
      %mul3A_78 = arith.muli %add3A_76, %mul3A_77 : i32
      %dma_wait3A_79 = arith.constant 0 : i32
      %dma_wait3A_80 = tpu.memref_slice %arg2[%dma_wait3A_79, %mul3A_78] : memref<64x1000000xf32, #tpu.memory_space<hbm>> -> memref<64x768xf32, #tpu.memory_space<hbm>>
      %dma_wait3A_81 = arith.constant 0 : i32
      %dma_wait3A_82 = tpu.memref_slice %arg2[%dma_wait3A_81, %mul3A_78] : memref<64x1000000xf32, #tpu.memory_space<hbm>> -> memref<64x768xf32, #tpu.memory_space<hbm>>
      tpu.wait_dma2 semaphore(%arg11 : memref<!tpu.dma_semaphore, #tpu.memory_space<semaphore_mem>>) src(%dma_wait3A_82 : memref<64x768xf32, #tpu.memory_space<hbm>>) dst(%arg6 : memref<64x768xf32, #tpu.memory_space<vmem>>)
      %sub3A_83 = arith.constant 2 : i32
      %sub3A_84 = arith.subi %add3A_66, %sub3A_83 : i32
      %ge3A_85 = arith.constant 0 : i32
      %ge3A_86 = arith.cmpi sge, %sub3A_84, %ge3A_85 : i32
      %convert_element_type3A_87 = arith.extui %ge3A_86 : i1 to i32
      %cond3A_88 = arith.constant 0 : i32
      %cond3A_89 = arith.cmpi ne, %convert_element_type3A_87, %cond3A_88 : i32
      scf.if %cond3A_89 {
        %sub3A_105 = arith.constant 2 : i32
        %sub3A_106 = arith.subi %add3A_66, %sub3A_105 : i32
        %mul3A_107 = arith.constant 32 : i32
        %mul3A_108 = arith.muli %mul3A_107, %sub3A_106 : i32
        %add3A_109 = arith.addi %add3A, %mul3A_108 : i32
        %mul3A_110 = arith.constant 768 : i32
        %mul3A_111 = arith.muli %add3A_109, %mul3A_110 : i32
        %dma_wait3A_112 = tpu.memref_slice %arg4[%mul3A_111] : memref<196608xf32, #tpu.memory_space<hbm>> -> memref<768xf32, #tpu.memory_space<hbm>>
        %dma_wait3A_113 = tpu.memref_slice %arg4[%mul3A_111] : memref<196608xf32, #tpu.memory_space<hbm>> -> memref<768xf32, #tpu.memory_space<hbm>>
        tpu.wait_dma2 semaphore(%arg13 : memref<!tpu.dma_semaphore, #tpu.memory_space<semaphore_mem>>) src(%arg8 : memref<768xf32, #tpu.memory_space<vmem>>) dst(%dma_wait3A_113 : memref<768xf32, #tpu.memory_space<hbm>>)
      } else {
      }
      %scan3A_90 = arith.constant 0 : i32
      %scan3A_91 = arith.constant 0 : i32
      %scan3A_92 = arith.constant 6 : i32
      %scan3A_93 = arith.addi %scan3A_91, %scan3A_92 : i32
      %scan3A_94 = arith.constant 1 : i32
      %scan3A_95 = scf.for %scan3A_105 = %scan3A_91 to %scan3A_93 step %scan3A_94 iter_args(%scan3A_106 = %scan3A_90) -> (i32)  : i32 {
        %mul3A_107 = arith.constant 128 : i32
        %mul3A_108 = arith.muli %scan3A_105, %mul3A_107 : i32
        %broadcast_in_dim3A = arith.constant 0.000000e+00 : f32
        %broadcast_in_dim3A_109 = vector.broadcast %broadcast_in_dim3A : f32 to vector<16xf32>
        %broadcast_in_dim3A_110 = arith.constant 0.000000e+00 : f32
        %broadcast_in_dim3A_111 = vector.broadcast %broadcast_in_dim3A_110 : f32 to vector<16xf32>
        %broadcast_in_dim3A_112 = arith.constant 0.000000e+00 : f32
        %broadcast_in_dim3A_113 = vector.broadcast %broadcast_in_dim3A_112 : f32 to vector<16xf32>
        %broadcast_in_dim3A_114 = arith.constant 0.000000e+00 : f32
        %broadcast_in_dim3A_115 = vector.broadcast %broadcast_in_dim3A_114 : f32 to vector<16xf32>
        %broadcast_in_dim3A_116 = arith.constant 0.000000e+00 : f32
        %broadcast_in_dim3A_117 = vector.broadcast %broadcast_in_dim3A_116 : f32 to vector<16xf32>
        %broadcast_in_dim3A_118 = arith.constant 0.000000e+00 : f32
        %broadcast_in_dim3A_119 = vector.broadcast %broadcast_in_dim3A_118 : f32 to vector<16xf32>
        %broadcast_in_dim3A_120 = arith.constant 0.000000e+00 : f32
        %broadcast_in_dim3A_121 = vector.broadcast %broadcast_in_dim3A_120 : f32 to vector<16xf32>
        %broadcast_in_dim3A_122 = arith.constant 0.000000e+00 : f32
        %broadcast_in_dim3A_123 = vector.broadcast %broadcast_in_dim3A_122 : f32 to vector<16xf32>
        %scan3A_124 = arith.constant 0 : i32
        %scan3A_125 = arith.constant 8 : i32
        %scan3A_126 = arith.addi %scan3A_124, %scan3A_125 : i32
        %scan3A_127 = arith.constant 1 : i32
        %scan3A_128:8 = scf.for %scan3A_162 = %scan3A_124 to %scan3A_126 step %scan3A_127 iter_args(%scan3A_163 = %broadcast_in_dim3A_109, %scan3A_164 = %broadcast_in_dim3A_111, %scan3A_165 = %broadcast_in_dim3A_113, %scan3A_166 = %broadcast_in_dim3A_115, %scan3A_167 = %broadcast_in_dim3A_117, %scan3A_168 = %broadcast_in_dim3A_119, %scan3A_169 = %broadcast_in_dim3A_121, %scan3A_170 = %broadcast_in_dim3A_123) -> (vector<16xf32>, vector<16xf32>, vector<16xf32>, vector<16xf32>, vector<16xf32>, vector<16xf32>, vector<16xf32>, vector<16xf32>)  : i32 {
          %mul3A_171 = arith.constant 8 : i32
          %mul3A_172 = arith.muli %scan3A_162, %mul3A_171 : i32
          %add3A_173 = arith.constant 0 : i32
          %add3A_174 = arith.addi %mul3A_172, %add3A_173 : i32
          %get3A = arith.index_cast %add3A_174 : i32 to index
          %get3A_175 = arith.constant 0 : index
          %get3A_176 = tpu.vector_load %arg9[%get3A, %get3A_175] {strides = array<i32>} : memref<64x16xf32, #tpu.memory_space<vmem>>, vector<16xf32>,
          %add3A_177 = arith.constant 0 : i32
          %add3A_178 = arith.addi %mul3A_108, %add3A_177 : i32
          %get3A_179 = arith.index_cast %add3A_174 : i32 to index
          %get3A_180 = arith.index_cast %add3A_178 : i32 to index
          %get3A_181 = tpu.vector_load %arg6[%get3A_179, %get3A_180] {strides = array<i32>} : memref<64x768xf32, #tpu.memory_space<vmem>>, vector<16xf32>,
          %mul3A_182 = arith.mulf %get3A_181, %get3A_176 : vector<16xf32>
          %add3A_183 = arith.addf %scan3A_163, %mul3A_182 : vector<16xf32>
          %add3A_184 = arith.constant 16 : i32
          %add3A_185 = arith.addi %mul3A_108, %add3A_184 : i32
          %get3A_186 = arith.index_cast %add3A_174 : i32 to index
          %get3A_187 = arith.index_cast %add3A_185 : i32 to index
          %get3A_188 = tpu.vector_load %arg6[%get3A_186, %get3A_187] {strides = array<i32>} : memref<64x768xf32, #tpu.memory_space<vmem>>, vector<16xf32>,
          %mul3A_189 = arith.mulf %get3A_188, %get3A_176 : vector<16xf32>
          %add3A_190 = arith.addf %scan3A_164, %mul3A_189 : vector<16xf32>
          %add3A_191 = arith.constant 32 : i32
          %add3A_192 = arith.addi %mul3A_108, %add3A_191 : i32
          %get3A_193 = arith.index_cast %add3A_174 : i32 to index
          %get3A_194 = arith.index_cast %add3A_192 : i32 to index
          %get3A_195 = tpu.vector_load %arg6[%get3A_193, %get3A_194] {strides = array<i32>} : memref<64x768xf32, #tpu.memory_space<vmem>>, vector<16xf32>,
          %mul3A_196 = arith.mulf %get3A_195, %get3A_176 : vector<16xf32>
          %add3A_197 = arith.addf %scan3A_165, %mul3A_196 : vector<16xf32>
          %add3A_198 = arith.constant 48 : i32
          %add3A_199 = arith.addi %mul3A_108, %add3A_198 : i32
          %get3A_200 = arith.index_cast %add3A_174 : i32 to index
          %get3A_201 = arith.index_cast %add3A_199 : i32 to index
          %get3A_202 = tpu.vector_load %arg6[%get3A_200, %get3A_201] {strides = array<i32>} : memref<64x768xf32, #tpu.memory_space<vmem>>, vector<16xf32>,
          %mul3A_203 = arith.mulf %get3A_202, %get3A_176 : vector<16xf32>
          %add3A_204 = arith.addf %scan3A_166, %mul3A_203 : vector<16xf32>
          %add3A_205 = arith.constant 64 : i32
          %add3A_206 = arith.addi %mul3A_108, %add3A_205 : i32
          %get3A_207 = arith.index_cast %add3A_174 : i32 to index
          %get3A_208 = arith.index_cast %add3A_206 : i32 to index
          %get3A_209 = tpu.vector_load %arg6[%get3A_207, %get3A_208] {strides = array<i32>} : memref<64x768xf32, #tpu.memory_space<vmem>>, vector<16xf32>,
          %mul3A_210 = arith.mulf %get3A_209, %get3A_176 : vector<16xf32>
          %add3A_211 = arith.addf %scan3A_167, %mul3A_210 : vector<16xf32>
          %add3A_212 = arith.constant 80 : i32
          %add3A_213 = arith.addi %mul3A_108, %add3A_212 : i32
          %get3A_214 = arith.index_cast %add3A_174 : i32 to index
          %get3A_215 = arith.index_cast %add3A_213 : i32 to index
          %get3A_216 = tpu.vector_load %arg6[%get3A_214, %get3A_215] {strides = array<i32>} : memref<64x768xf32, #tpu.memory_space<vmem>>, vector<16xf32>,
          %mul3A_217 = arith.mulf %get3A_216, %get3A_176 : vector<16xf32>
          %add3A_218 = arith.addf %scan3A_168, %mul3A_217 : vector<16xf32>
          %add3A_219 = arith.constant 96 : i32
          %add3A_220 = arith.addi %mul3A_108, %add3A_219 : i32
          %get3A_221 = arith.index_cast %add3A_174 : i32 to index
          %get3A_222 = arith.index_cast %add3A_220 : i32 to index
          %get3A_223 = tpu.vector_load %arg6[%get3A_221, %get3A_222] {strides = array<i32>} : memref<64x768xf32, #tpu.memory_space<vmem>>, vector<16xf32>,
          %mul3A_224 = arith.mulf %get3A_223, %get3A_176 : vector<16xf32>
          %add3A_225 = arith.addf %scan3A_169, %mul3A_224 : vector<16xf32>
          %add3A_226 = arith.constant 112 : i32
          %add3A_227 = arith.addi %mul3A_108, %add3A_226 : i32
          %get3A_228 = arith.index_cast %add3A_174 : i32 to index
          %get3A_229 = arith.index_cast %add3A_227 : i32 to index
          %get3A_230 = tpu.vector_load %arg6[%get3A_228, %get3A_229] {strides = array<i32>} : memref<64x768xf32, #tpu.memory_space<vmem>>, vector<16xf32>,
          %mul3A_231 = arith.mulf %get3A_230, %get3A_176 : vector<16xf32>
          %add3A_232 = arith.addf %scan3A_170, %mul3A_231 : vector<16xf32>
          %mul3A_233 = arith.constant 8 : i32
          %mul3A_234 = arith.muli %scan3A_162, %mul3A_233 : i32
          %add3A_235 = arith.constant 1 : i32
          %add3A_236 = arith.addi %mul3A_234, %add3A_235 : i32
          %get3A_237 = arith.index_cast %add3A_236 : i32 to index
          %get3A_238 = arith.constant 0 : index
          %get3A_239 = tpu.vector_load %arg9[%get3A_237, %get3A_238] {strides = array<i32>} : memref<64x16xf32, #tpu.memory_space<vmem>>, vector<16xf32>,
          %add3A_240 = arith.constant 0 : i32
          %add3A_241 = arith.addi %mul3A_108, %add3A_240 : i32
          %get3A_242 = arith.index_cast %add3A_236 : i32 to index
          %get3A_243 = arith.index_cast %add3A_241 : i32 to index
          %get3A_244 = tpu.vector_load %arg6[%get3A_242, %get3A_243] {strides = array<i32>} : memref<64x768xf32, #tpu.memory_space<vmem>>, vector<16xf32>,
          %mul3A_245 = arith.mulf %get3A_244, %get3A_239 : vector<16xf32>
          %add3A_246 = arith.addf %add3A_183, %mul3A_245 : vector<16xf32>
          %add3A_247 = arith.constant 16 : i32
          %add3A_248 = arith.addi %mul3A_108, %add3A_247 : i32
          %get3A_249 = arith.index_cast %add3A_236 : i32 to index
          %get3A_250 = arith.index_cast %add3A_248 : i32 to index
          %get3A_251 = tpu.vector_load %arg6[%get3A_249, %get3A_250] {strides = array<i32>} : memref<64x768xf32, #tpu.memory_space<vmem>>, vector<16xf32>,
          %mul3A_252 = arith.mulf %get3A_251, %get3A_239 : vector<16xf32>
          %add3A_253 = arith.addf %add3A_190, %mul3A_252 : vector<16xf32>
          %add3A_254 = arith.constant 32 : i32
          %add3A_255 = arith.addi %mul3A_108, %add3A_254 : i32
          %get3A_256 = arith.index_cast %add3A_236 : i32 to index
          %get3A_257 = arith.index_cast %add3A_255 : i32 to index
          %get3A_258 = tpu.vector_load %arg6[%get3A_256, %get3A_257] {strides = array<i32>} : memref<64x768xf32, #tpu.memory_space<vmem>>, vector<16xf32>,
          %mul3A_259 = arith.mulf %get3A_258, %get3A_239 : vector<16xf32>
          %add3A_260 = arith.addf %add3A_197, %mul3A_259 : vector<16xf32>
          %add3A_261 = arith.constant 48 : i32
          %add3A_262 = arith.addi %mul3A_108, %add3A_261 : i32
          %get3A_263 = arith.index_cast %add3A_236 : i32 to index
          %get3A_264 = arith.index_cast %add3A_262 : i32 to index
          %get3A_265 = tpu.vector_load %arg6[%get3A_263, %get3A_264] {strides = array<i32>} : memref<64x768xf32, #tpu.memory_space<vmem>>, vector<16xf32>,
          %mul3A_266 = arith.mulf %get3A_265, %get3A_239 : vector<16xf32>
          %add3A_267 = arith.addf %add3A_204, %mul3A_266 : vector<16xf32>
          %add3A_268 = arith.constant 64 : i32
          %add3A_269 = arith.addi %mul3A_108, %add3A_268 : i32
          %get3A_270 = arith.index_cast %add3A_236 : i32 to index
          %get3A_271 = arith.index_cast %add3A_269 : i32 to index
          %get3A_272 = tpu.vector_load %arg6[%get3A_270, %get3A_271] {strides = array<i32>} : memref<64x768xf32, #tpu.memory_space<vmem>>, vector<16xf32>,
          %mul3A_273 = arith.mulf %get3A_272, %get3A_239 : vector<16xf32>
          %add3A_274 = arith.addf %add3A_211, %mul3A_273 : vector<16xf32>
          %add3A_275 = arith.constant 80 : i32
          %add3A_276 = arith.addi %mul3A_108, %add3A_275 : i32
          %get3A_277 = arith.index_cast %add3A_236 : i32 to index
          %get3A_278 = arith.index_cast %add3A_276 : i32 to index
          %get3A_279 = tpu.vector_load %arg6[%get3A_277, %get3A_278] {strides = array<i32>} : memref<64x768xf32, #tpu.memory_space<vmem>>, vector<16xf32>,
          %mul3A_280 = arith.mulf %get3A_279, %get3A_239 : vector<16xf32>
          %add3A_281 = arith.addf %add3A_218, %mul3A_280 : vector<16xf32>
          %add3A_282 = arith.constant 96 : i32
          %add3A_283 = arith.addi %mul3A_108, %add3A_282 : i32
          %get3A_284 = arith.index_cast %add3A_236 : i32 to index
          %get3A_285 = arith.index_cast %add3A_283 : i32 to index
          %get3A_286 = tpu.vector_load %arg6[%get3A_284, %get3A_285] {strides = array<i32>} : memref<64x768xf32, #tpu.memory_space<vmem>>, vector<16xf32>,
          %mul3A_287 = arith.mulf %get3A_286, %get3A_239 : vector<16xf32>
          %add3A_288 = arith.addf %add3A_225, %mul3A_287 : vector<16xf32>
          %add3A_289 = arith.constant 112 : i32
          %add3A_290 = arith.addi %mul3A_108, %add3A_289 : i32
          %get3A_291 = arith.index_cast %add3A_236 : i32 to index
          %get3A_292 = arith.index_cast %add3A_290 : i32 to index
          %get3A_293 = tpu.vector_load %arg6[%get3A_291, %get3A_292] {strides = array<i32>} : memref<64x768xf32, #tpu.memory_space<vmem>>, vector<16xf32>,
          %mul3A_294 = arith.mulf %get3A_293, %get3A_239 : vector<16xf32>
          %add3A_295 = arith.addf %add3A_232, %mul3A_294 : vector<16xf32>
          %mul3A_296 = arith.constant 8 : i32
          %mul3A_297 = arith.muli %scan3A_162, %mul3A_296 : i32
          %add3A_298 = arith.constant 2 : i32
          %add3A_299 = arith.addi %mul3A_297, %add3A_298 : i32
          %get3A_300 = arith.index_cast %add3A_299 : i32 to index
          %get3A_301 = arith.constant 0 : index
          %get3A_302 = tpu.vector_load %arg9[%get3A_300, %get3A_301] {strides = array<i32>} : memref<64x16xf32, #tpu.memory_space<vmem>>, vector<16xf32>,
          %add3A_303 = arith.constant 0 : i32
          %add3A_304 = arith.addi %mul3A_108, %add3A_303 : i32
          %get3A_305 = arith.index_cast %add3A_299 : i32 to index
          %get3A_306 = arith.index_cast %add3A_304 : i32 to index
          %get3A_307 = tpu.vector_load %arg6[%get3A_305, %get3A_306] {strides = array<i32>} : memref<64x768xf32, #tpu.memory_space<vmem>>, vector<16xf32>,
          %mul3A_308 = arith.mulf %get3A_307, %get3A_302 : vector<16xf32>
          %add3A_309 = arith.addf %add3A_246, %mul3A_308 : vector<16xf32>
          %add3A_310 = arith.constant 16 : i32
          %add3A_311 = arith.addi %mul3A_108, %add3A_310 : i32
          %get3A_312 = arith.index_cast %add3A_299 : i32 to index
          %get3A_313 = arith.index_cast %add3A_311 : i32 to index
          %get3A_314 = tpu.vector_load %arg6[%get3A_312, %get3A_313] {strides = array<i32>} : memref<64x768xf32, #tpu.memory_space<vmem>>, vector<16xf32>,
          %mul3A_315 = arith.mulf %get3A_314, %get3A_302 : vector<16xf32>
          %add3A_316 = arith.addf %add3A_253, %mul3A_315 : vector<16xf32>
          %add3A_317 = arith.constant 32 : i32
          %add3A_318 = arith.addi %mul3A_108, %add3A_317 : i32
          %get3A_319 = arith.index_cast %add3A_299 : i32 to index
          %get3A_320 = arith.index_cast %add3A_318 : i32 to index
          %get3A_321 = tpu.vector_load %arg6[%get3A_319, %get3A_320] {strides = array<i32>} : memref<64x768xf32, #tpu.memory_space<vmem>>, vector<16xf32>,
          %mul3A_322 = arith.mulf %get3A_321, %get3A_302 : vector<16xf32>
          %add3A_323 = arith.addf %add3A_260, %mul3A_322 : vector<16xf32>
          %add3A_324 = arith.constant 48 : i32
          %add3A_325 = arith.addi %mul3A_108, %add3A_324 : i32
          %get3A_326 = arith.index_cast %add3A_299 : i32 to index
          %get3A_327 = arith.index_cast %add3A_325 : i32 to index
          %get3A_328 = tpu.vector_load %arg6[%get3A_326, %get3A_327] {strides = array<i32>} : memref<64x768xf32, #tpu.memory_space<vmem>>, vector<16xf32>,
          %mul3A_329 = arith.mulf %get3A_328, %get3A_302 : vector<16xf32>
          %add3A_330 = arith.addf %add3A_267, %mul3A_329 : vector<16xf32>
          %add3A_331 = arith.constant 64 : i32
          %add3A_332 = arith.addi %mul3A_108, %add3A_331 : i32
          %get3A_333 = arith.index_cast %add3A_299 : i32 to index
          %get3A_334 = arith.index_cast %add3A_332 : i32 to index
          %get3A_335 = tpu.vector_load %arg6[%get3A_333, %get3A_334] {strides = array<i32>} : memref<64x768xf32, #tpu.memory_space<vmem>>, vector<16xf32>,
          %mul3A_336 = arith.mulf %get3A_335, %get3A_302 : vector<16xf32>
          %add3A_337 = arith.addf %add3A_274, %mul3A_336 : vector<16xf32>
          %add3A_338 = arith.constant 80 : i32
          %add3A_339 = arith.addi %mul3A_108, %add3A_338 : i32
          %get3A_340 = arith.index_cast %add3A_299 : i32 to index
          %get3A_341 = arith.index_cast %add3A_339 : i32 to index
          %get3A_342 = tpu.vector_load %arg6[%get3A_340, %get3A_341] {strides = array<i32>} : memref<64x768xf32, #tpu.memory_space<vmem>>, vector<16xf32>,
          %mul3A_343 = arith.mulf %get3A_342, %get3A_302 : vector<16xf32>
          %add3A_344 = arith.addf %add3A_281, %mul3A_343 : vector<16xf32>
          %add3A_345 = arith.constant 96 : i32
          %add3A_346 = arith.addi %mul3A_108, %add3A_345 : i32
          %get3A_347 = arith.index_cast %add3A_299 : i32 to index
          %get3A_348 = arith.index_cast %add3A_346 : i32 to index
          %get3A_349 = tpu.vector_load %arg6[%get3A_347, %get3A_348] {strides = array<i32>} : memref<64x768xf32, #tpu.memory_space<vmem>>, vector<16xf32>,
          %mul3A_350 = arith.mulf %get3A_349, %get3A_302 : vector<16xf32>
          %add3A_351 = arith.addf %add3A_288, %mul3A_350 : vector<16xf32>
          %add3A_352 = arith.constant 112 : i32
          %add3A_353 = arith.addi %mul3A_108, %add3A_352 : i32
          %get3A_354 = arith.index_cast %add3A_299 : i32 to index
          %get3A_355 = arith.index_cast %add3A_353 : i32 to index
          %get3A_356 = tpu.vector_load %arg6[%get3A_354, %get3A_355] {strides = array<i32>} : memref<64x768xf32, #tpu.memory_space<vmem>>, vector<16xf32>,
          %mul3A_357 = arith.mulf %get3A_356, %get3A_302 : vector<16xf32>
          %add3A_358 = arith.addf %add3A_295, %mul3A_357 : vector<16xf32>
          %mul3A_359 = arith.constant 8 : i32
          %mul3A_360 = arith.muli %scan3A_162, %mul3A_359 : i32
          %add3A_361 = arith.constant 3 : i32
          %add3A_362 = arith.addi %mul3A_360, %add3A_361 : i32
          %get3A_363 = arith.index_cast %add3A_362 : i32 to index
          %get3A_364 = arith.constant 0 : index
          %get3A_365 = tpu.vector_load %arg9[%get3A_363, %get3A_364] {strides = array<i32>} : memref<64x16xf32, #tpu.memory_space<vmem>>, vector<16xf32>,
          %add3A_366 = arith.constant 0 : i32
          %add3A_367 = arith.addi %mul3A_108, %add3A_366 : i32
          %get3A_368 = arith.index_cast %add3A_362 : i32 to index
          %get3A_369 = arith.index_cast %add3A_367 : i32 to index
          %get3A_370 = tpu.vector_load %arg6[%get3A_368, %get3A_369] {strides = array<i32>} : memref<64x768xf32, #tpu.memory_space<vmem>>, vector<16xf32>,
          %mul3A_371 = arith.mulf %get3A_370, %get3A_365 : vector<16xf32>
          %add3A_372 = arith.addf %add3A_309, %mul3A_371 : vector<16xf32>
          %add3A_373 = arith.constant 16 : i32
          %add3A_374 = arith.addi %mul3A_108, %add3A_373 : i32
          %get3A_375 = arith.index_cast %add3A_362 : i32 to index
          %get3A_376 = arith.index_cast %add3A_374 : i32 to index
          %get3A_377 = tpu.vector_load %arg6[%get3A_375, %get3A_376] {strides = array<i32>} : memref<64x768xf32, #tpu.memory_space<vmem>>, vector<16xf32>,
          %mul3A_378 = arith.mulf %get3A_377, %get3A_365 : vector<16xf32>
          %add3A_379 = arith.addf %add3A_316, %mul3A_378 : vector<16xf32>
          %add3A_380 = arith.constant 32 : i32
          %add3A_381 = arith.addi %mul3A_108, %add3A_380 : i32
          %get3A_382 = arith.index_cast %add3A_362 : i32 to index
          %get3A_383 = arith.index_cast %add3A_381 : i32 to index
          %get3A_384 = tpu.vector_load %arg6[%get3A_382, %get3A_383] {strides = array<i32>} : memref<64x768xf32, #tpu.memory_space<vmem>>, vector<16xf32>,
          %mul3A_385 = arith.mulf %get3A_384, %get3A_365 : vector<16xf32>
          %add3A_386 = arith.addf %add3A_323, %mul3A_385 : vector<16xf32>
          %add3A_387 = arith.constant 48 : i32
          %add3A_388 = arith.addi %mul3A_108, %add3A_387 : i32
          %get3A_389 = arith.index_cast %add3A_362 : i32 to index
          %get3A_390 = arith.index_cast %add3A_388 : i32 to index
          %get3A_391 = tpu.vector_load %arg6[%get3A_389, %get3A_390] {strides = array<i32>} : memref<64x768xf32, #tpu.memory_space<vmem>>, vector<16xf32>,
          %mul3A_392 = arith.mulf %get3A_391, %get3A_365 : vector<16xf32>
          %add3A_393 = arith.addf %add3A_330, %mul3A_392 : vector<16xf32>
          %add3A_394 = arith.constant 64 : i32
          %add3A_395 = arith.addi %mul3A_108, %add3A_394 : i32
          %get3A_396 = arith.index_cast %add3A_362 : i32 to index
          %get3A_397 = arith.index_cast %add3A_395 : i32 to index
          %get3A_398 = tpu.vector_load %arg6[%get3A_396, %get3A_397] {strides = array<i32>} : memref<64x768xf32, #tpu.memory_space<vmem>>, vector<16xf32>,
          %mul3A_399 = arith.mulf %get3A_398, %get3A_365 : vector<16xf32>
          %add3A_400 = arith.addf %add3A_337, %mul3A_399 : vector<16xf32>
          %add3A_401 = arith.constant 80 : i32
          %add3A_402 = arith.addi %mul3A_108, %add3A_401 : i32
          %get3A_403 = arith.index_cast %add3A_362 : i32 to index
          %get3A_404 = arith.index_cast %add3A_402 : i32 to index
          %get3A_405 = tpu.vector_load %arg6[%get3A_403, %get3A_404] {strides = array<i32>} : memref<64x768xf32, #tpu.memory_space<vmem>>, vector<16xf32>,
          %mul3A_406 = arith.mulf %get3A_405, %get3A_365 : vector<16xf32>
          %add3A_407 = arith.addf %add3A_344, %mul3A_406 : vector<16xf32>
          %add3A_408 = arith.constant 96 : i32
          %add3A_409 = arith.addi %mul3A_108, %add3A_408 : i32
          %get3A_410 = arith.index_cast %add3A_362 : i32 to index
          %get3A_411 = arith.index_cast %add3A_409 : i32 to index
          %get3A_412 = tpu.vector_load %arg6[%get3A_410, %get3A_411] {strides = array<i32>} : memref<64x768xf32, #tpu.memory_space<vmem>>, vector<16xf32>,
          %mul3A_413 = arith.mulf %get3A_412, %get3A_365 : vector<16xf32>
          %add3A_414 = arith.addf %add3A_351, %mul3A_413 : vector<16xf32>
          %add3A_415 = arith.constant 112 : i32
          %add3A_416 = arith.addi %mul3A_108, %add3A_415 : i32
          %get3A_417 = arith.index_cast %add3A_362 : i32 to index
          %get3A_418 = arith.index_cast %add3A_416 : i32 to index
          %get3A_419 = tpu.vector_load %arg6[%get3A_417, %get3A_418] {strides = array<i32>} : memref<64x768xf32, #tpu.memory_space<vmem>>, vector<16xf32>,
          %mul3A_420 = arith.mulf %get3A_419, %get3A_365 : vector<16xf32>
          %add3A_421 = arith.addf %add3A_358, %mul3A_420 : vector<16xf32>
          %mul3A_422 = arith.constant 8 : i32
          %mul3A_423 = arith.muli %scan3A_162, %mul3A_422 : i32
          %add3A_424 = arith.constant 4 : i32
          %add3A_425 = arith.addi %mul3A_423, %add3A_424 : i32
          %get3A_426 = arith.index_cast %add3A_425 : i32 to index
          %get3A_427 = arith.constant 0 : index
          %get3A_428 = tpu.vector_load %arg9[%get3A_426, %get3A_427] {strides = array<i32>} : memref<64x16xf32, #tpu.memory_space<vmem>>, vector<16xf32>,
          %add3A_429 = arith.constant 0 : i32
          %add3A_430 = arith.addi %mul3A_108, %add3A_429 : i32
          %get3A_431 = arith.index_cast %add3A_425 : i32 to index
          %get3A_432 = arith.index_cast %add3A_430 : i32 to index
          %get3A_433 = tpu.vector_load %arg6[%get3A_431, %get3A_432] {strides = array<i32>} : memref<64x768xf32, #tpu.memory_space<vmem>>, vector<16xf32>,
          %mul3A_434 = arith.mulf %get3A_433, %get3A_428 : vector<16xf32>
          %add3A_435 = arith.addf %add3A_372, %mul3A_434 : vector<16xf32>
          %add3A_436 = arith.constant 16 : i32
          %add3A_437 = arith.addi %mul3A_108, %add3A_436 : i32
          %get3A_438 = arith.index_cast %add3A_425 : i32 to index
          %get3A_439 = arith.index_cast %add3A_437 : i32 to index
          %get3A_440 = tpu.vector_load %arg6[%get3A_438, %get3A_439] {strides = array<i32>} : memref<64x768xf32, #tpu.memory_space<vmem>>, vector<16xf32>,
          %mul3A_441 = arith.mulf %get3A_440, %get3A_428 : vector<16xf32>
          %add3A_442 = arith.addf %add3A_379, %mul3A_441 : vector<16xf32>
          %add3A_443 = arith.constant 32 : i32
          %add3A_444 = arith.addi %mul3A_108, %add3A_443 : i32
          %get3A_445 = arith.index_cast %add3A_425 : i32 to index
          %get3A_446 = arith.index_cast %add3A_444 : i32 to index
          %get3A_447 = tpu.vector_load %arg6[%get3A_445, %get3A_446] {strides = array<i32>} : memref<64x768xf32, #tpu.memory_space<vmem>>, vector<16xf32>,
          %mul3A_448 = arith.mulf %get3A_447, %get3A_428 : vector<16xf32>
          %add3A_449 = arith.addf %add3A_386, %mul3A_448 : vector<16xf32>
          %add3A_450 = arith.constant 48 : i32
          %add3A_451 = arith.addi %mul3A_108, %add3A_450 : i32
          %get3A_452 = arith.index_cast %add3A_425 : i32 to index
          %get3A_453 = arith.index_cast %add3A_451 : i32 to index
          %get3A_454 = tpu.vector_load %arg6[%get3A_452, %get3A_453] {strides = array<i32>} : memref<64x768xf32, #tpu.memory_space<vmem>>, vector<16xf32>,
          %mul3A_455 = arith.mulf %get3A_454, %get3A_428 : vector<16xf32>
          %add3A_456 = arith.addf %add3A_393, %mul3A_455 : vector<16xf32>
          %add3A_457 = arith.constant 64 : i32
          %add3A_458 = arith.addi %mul3A_108, %add3A_457 : i32
          %get3A_459 = arith.index_cast %add3A_425 : i32 to index
          %get3A_460 = arith.index_cast %add3A_458 : i32 to index
          %get3A_461 = tpu.vector_load %arg6[%get3A_459, %get3A_460] {strides = array<i32>} : memref<64x768xf32, #tpu.memory_space<vmem>>, vector<16xf32>,
          %mul3A_462 = arith.mulf %get3A_461, %get3A_428 : vector<16xf32>
          %add3A_463 = arith.addf %add3A_400, %mul3A_462 : vector<16xf32>
          %add3A_464 = arith.constant 80 : i32
          %add3A_465 = arith.addi %mul3A_108, %add3A_464 : i32
          %get3A_466 = arith.index_cast %add3A_425 : i32 to index
          %get3A_467 = arith.index_cast %add3A_465 : i32 to index
          %get3A_468 = tpu.vector_load %arg6[%get3A_466, %get3A_467] {strides = array<i32>} : memref<64x768xf32, #tpu.memory_space<vmem>>, vector<16xf32>,
          %mul3A_469 = arith.mulf %get3A_468, %get3A_428 : vector<16xf32>
          %add3A_470 = arith.addf %add3A_407, %mul3A_469 : vector<16xf32>
          %add3A_471 = arith.constant 96 : i32
          %add3A_472 = arith.addi %mul3A_108, %add3A_471 : i32
          %get3A_473 = arith.index_cast %add3A_425 : i32 to index
          %get3A_474 = arith.index_cast %add3A_472 : i32 to index
          %get3A_475 = tpu.vector_load %arg6[%get3A_473, %get3A_474] {strides = array<i32>} : memref<64x768xf32, #tpu.memory_space<vmem>>, vector<16xf32>,
          %mul3A_476 = arith.mulf %get3A_475, %get3A_428 : vector<16xf32>
          %add3A_477 = arith.addf %add3A_414, %mul3A_476 : vector<16xf32>
          %add3A_478 = arith.constant 112 : i32
          %add3A_479 = arith.addi %mul3A_108, %add3A_478 : i32
          %get3A_480 = arith.index_cast %add3A_425 : i32 to index
          %get3A_481 = arith.index_cast %add3A_479 : i32 to index
          %get3A_482 = tpu.vector_load %arg6[%get3A_480, %get3A_481] {strides = array<i32>} : memref<64x768xf32, #tpu.memory_space<vmem>>, vector<16xf32>,
          %mul3A_483 = arith.mulf %get3A_482, %get3A_428 : vector<16xf32>
          %add3A_484 = arith.addf %add3A_421, %mul3A_483 : vector<16xf32>
          %mul3A_485 = arith.constant 8 : i32
          %mul3A_486 = arith.muli %scan3A_162, %mul3A_485 : i32
          %add3A_487 = arith.constant 5 : i32
          %add3A_488 = arith.addi %mul3A_486, %add3A_487 : i32
          %get3A_489 = arith.index_cast %add3A_488 : i32 to index
          %get3A_490 = arith.constant 0 : index
          %get3A_491 = tpu.vector_load %arg9[%get3A_489, %get3A_490] {strides = array<i32>} : memref<64x16xf32, #tpu.memory_space<vmem>>, vector<16xf32>,
          %add3A_492 = arith.constant 0 : i32
          %add3A_493 = arith.addi %mul3A_108, %add3A_492 : i32
          %get3A_494 = arith.index_cast %add3A_488 : i32 to index
          %get3A_495 = arith.index_cast %add3A_493 : i32 to index
          %get3A_496 = tpu.vector_load %arg6[%get3A_494, %get3A_495] {strides = array<i32>} : memref<64x768xf32, #tpu.memory_space<vmem>>, vector<16xf32>,
          %mul3A_497 = arith.mulf %get3A_496, %get3A_491 : vector<16xf32>
          %add3A_498 = arith.addf %add3A_435, %mul3A_497 : vector<16xf32>
          %add3A_499 = arith.constant 16 : i32
          %add3A_500 = arith.addi %mul3A_108, %add3A_499 : i32
          %get3A_501 = arith.index_cast %add3A_488 : i32 to index
          %get3A_502 = arith.index_cast %add3A_500 : i32 to index
          %get3A_503 = tpu.vector_load %arg6[%get3A_501, %get3A_502] {strides = array<i32>} : memref<64x768xf32, #tpu.memory_space<vmem>>, vector<16xf32>,
          %mul3A_504 = arith.mulf %get3A_503, %get3A_491 : vector<16xf32>
          %add3A_505 = arith.addf %add3A_442, %mul3A_504 : vector<16xf32>
          %add3A_506 = arith.constant 32 : i32
          %add3A_507 = arith.addi %mul3A_108, %add3A_506 : i32
          %get3A_508 = arith.index_cast %add3A_488 : i32 to index
          %get3A_509 = arith.index_cast %add3A_507 : i32 to index
          %get3A_510 = tpu.vector_load %arg6[%get3A_508, %get3A_509] {strides = array<i32>} : memref<64x768xf32, #tpu.memory_space<vmem>>, vector<16xf32>,
          %mul3A_511 = arith.mulf %get3A_510, %get3A_491 : vector<16xf32>
          %add3A_512 = arith.addf %add3A_449, %mul3A_511 : vector<16xf32>
          %add3A_513 = arith.constant 48 : i32
          %add3A_514 = arith.addi %mul3A_108, %add3A_513 : i32
          %get3A_515 = arith.index_cast %add3A_488 : i32 to index
          %get3A_516 = arith.index_cast %add3A_514 : i32 to index
          %get3A_517 = tpu.vector_load %arg6[%get3A_515, %get3A_516] {strides = array<i32>} : memref<64x768xf32, #tpu.memory_space<vmem>>, vector<16xf32>,
          %mul3A_518 = arith.mulf %get3A_517, %get3A_491 : vector<16xf32>
          %add3A_519 = arith.addf %add3A_456, %mul3A_518 : vector<16xf32>
          %add3A_520 = arith.constant 64 : i32
          %add3A_521 = arith.addi %mul3A_108, %add3A_520 : i32
          %get3A_522 = arith.index_cast %add3A_488 : i32 to index
          %get3A_523 = arith.index_cast %add3A_521 : i32 to index
          %get3A_524 = tpu.vector_load %arg6[%get3A_522, %get3A_523] {strides = array<i32>} : memref<64x768xf32, #tpu.memory_space<vmem>>, vector<16xf32>,
          %mul3A_525 = arith.mulf %get3A_524, %get3A_491 : vector<16xf32>
          %add3A_526 = arith.addf %add3A_463, %mul3A_525 : vector<16xf32>
          %add3A_527 = arith.constant 80 : i32
          %add3A_528 = arith.addi %mul3A_108, %add3A_527 : i32
          %get3A_529 = arith.index_cast %add3A_488 : i32 to index
          %get3A_530 = arith.index_cast %add3A_528 : i32 to index
          %get3A_531 = tpu.vector_load %arg6[%get3A_529, %get3A_530] {strides = array<i32>} : memref<64x768xf32, #tpu.memory_space<vmem>>, vector<16xf32>,
          %mul3A_532 = arith.mulf %get3A_531, %get3A_491 : vector<16xf32>
          %add3A_533 = arith.addf %add3A_470, %mul3A_532 : vector<16xf32>
          %add3A_534 = arith.constant 96 : i32
          %add3A_535 = arith.addi %mul3A_108, %add3A_534 : i32
          %get3A_536 = arith.index_cast %add3A_488 : i32 to index
          %get3A_537 = arith.index_cast %add3A_535 : i32 to index
          %get3A_538 = tpu.vector_load %arg6[%get3A_536, %get3A_537] {strides = array<i32>} : memref<64x768xf32, #tpu.memory_space<vmem>>, vector<16xf32>,
          %mul3A_539 = arith.mulf %get3A_538, %get3A_491 : vector<16xf32>
          %add3A_540 = arith.addf %add3A_477, %mul3A_539 : vector<16xf32>
          %add3A_541 = arith.constant 112 : i32
          %add3A_542 = arith.addi %mul3A_108, %add3A_541 : i32
          %get3A_543 = arith.index_cast %add3A_488 : i32 to index
          %get3A_544 = arith.index_cast %add3A_542 : i32 to index
          %get3A_545 = tpu.vector_load %arg6[%get3A_543, %get3A_544] {strides = array<i32>} : memref<64x768xf32, #tpu.memory_space<vmem>>, vector<16xf32>,
          %mul3A_546 = arith.mulf %get3A_545, %get3A_491 : vector<16xf32>
          %add3A_547 = arith.addf %add3A_484, %mul3A_546 : vector<16xf32>
          %mul3A_548 = arith.constant 8 : i32
          %mul3A_549 = arith.muli %scan3A_162, %mul3A_548 : i32
          %add3A_550 = arith.constant 6 : i32
          %add3A_551 = arith.addi %mul3A_549, %add3A_550 : i32
          %get3A_552 = arith.index_cast %add3A_551 : i32 to index
          %get3A_553 = arith.constant 0 : index
          %get3A_554 = tpu.vector_load %arg9[%get3A_552, %get3A_553] {strides = array<i32>} : memref<64x16xf32, #tpu.memory_space<vmem>>, vector<16xf32>,
          %add3A_555 = arith.constant 0 : i32
          %add3A_556 = arith.addi %mul3A_108, %add3A_555 : i32
          %get3A_557 = arith.index_cast %add3A_551 : i32 to index
          %get3A_558 = arith.index_cast %add3A_556 : i32 to index
          %get3A_559 = tpu.vector_load %arg6[%get3A_557, %get3A_558] {strides = array<i32>} : memref<64x768xf32, #tpu.memory_space<vmem>>, vector<16xf32>,
          %mul3A_560 = arith.mulf %get3A_559, %get3A_554 : vector<16xf32>
          %add3A_561 = arith.addf %add3A_498, %mul3A_560 : vector<16xf32>
          %add3A_562 = arith.constant 16 : i32
          %add3A_563 = arith.addi %mul3A_108, %add3A_562 : i32
          %get3A_564 = arith.index_cast %add3A_551 : i32 to index
          %get3A_565 = arith.index_cast %add3A_563 : i32 to index
          %get3A_566 = tpu.vector_load %arg6[%get3A_564, %get3A_565] {strides = array<i32>} : memref<64x768xf32, #tpu.memory_space<vmem>>, vector<16xf32>,
          %mul3A_567 = arith.mulf %get3A_566, %get3A_554 : vector<16xf32>
          %add3A_568 = arith.addf %add3A_505, %mul3A_567 : vector<16xf32>
          %add3A_569 = arith.constant 32 : i32
          %add3A_570 = arith.addi %mul3A_108, %add3A_569 : i32
          %get3A_571 = arith.index_cast %add3A_551 : i32 to index
          %get3A_572 = arith.index_cast %add3A_570 : i32 to index
          %get3A_573 = tpu.vector_load %arg6[%get3A_571, %get3A_572] {strides = array<i32>} : memref<64x768xf32, #tpu.memory_space<vmem>>, vector<16xf32>,
          %mul3A_574 = arith.mulf %get3A_573, %get3A_554 : vector<16xf32>
          %add3A_575 = arith.addf %add3A_512, %mul3A_574 : vector<16xf32>
          %add3A_576 = arith.constant 48 : i32
          %add3A_577 = arith.addi %mul3A_108, %add3A_576 : i32
          %get3A_578 = arith.index_cast %add3A_551 : i32 to index
          %get3A_579 = arith.index_cast %add3A_577 : i32 to index
          %get3A_580 = tpu.vector_load %arg6[%get3A_578, %get3A_579] {strides = array<i32>} : memref<64x768xf32, #tpu.memory_space<vmem>>, vector<16xf32>,
          %mul3A_581 = arith.mulf %get3A_580, %get3A_554 : vector<16xf32>
          %add3A_582 = arith.addf %add3A_519, %mul3A_581 : vector<16xf32>
          %add3A_583 = arith.constant 64 : i32
          %add3A_584 = arith.addi %mul3A_108, %add3A_583 : i32
          %get3A_585 = arith.index_cast %add3A_551 : i32 to index
          %get3A_586 = arith.index_cast %add3A_584 : i32 to index
          %get3A_587 = tpu.vector_load %arg6[%get3A_585, %get3A_586] {strides = array<i32>} : memref<64x768xf32, #tpu.memory_space<vmem>>, vector<16xf32>,
          %mul3A_588 = arith.mulf %get3A_587, %get3A_554 : vector<16xf32>
          %add3A_589 = arith.addf %add3A_526, %mul3A_588 : vector<16xf32>
          %add3A_590 = arith.constant 80 : i32
          %add3A_591 = arith.addi %mul3A_108, %add3A_590 : i32
          %get3A_592 = arith.index_cast %add3A_551 : i32 to index
          %get3A_593 = arith.index_cast %add3A_591 : i32 to index
          %get3A_594 = tpu.vector_load %arg6[%get3A_592, %get3A_593] {strides = array<i32>} : memref<64x768xf32, #tpu.memory_space<vmem>>, vector<16xf32>,
          %mul3A_595 = arith.mulf %get3A_594, %get3A_554 : vector<16xf32>
          %add3A_596 = arith.addf %add3A_533, %mul3A_595 : vector<16xf32>
          %add3A_597 = arith.constant 96 : i32
          %add3A_598 = arith.addi %mul3A_108, %add3A_597 : i32
          %get3A_599 = arith.index_cast %add3A_551 : i32 to index
          %get3A_600 = arith.index_cast %add3A_598 : i32 to index
          %get3A_601 = tpu.vector_load %arg6[%get3A_599, %get3A_600] {strides = array<i32>} : memref<64x768xf32, #tpu.memory_space<vmem>>, vector<16xf32>,
          %mul3A_602 = arith.mulf %get3A_601, %get3A_554 : vector<16xf32>
          %add3A_603 = arith.addf %add3A_540, %mul3A_602 : vector<16xf32>
          %add3A_604 = arith.constant 112 : i32
          %add3A_605 = arith.addi %mul3A_108, %add3A_604 : i32
          %get3A_606 = arith.index_cast %add3A_551 : i32 to index
          %get3A_607 = arith.index_cast %add3A_605 : i32 to index
          %get3A_608 = tpu.vector_load %arg6[%get3A_606, %get3A_607] {strides = array<i32>} : memref<64x768xf32, #tpu.memory_space<vmem>>, vector<16xf32>,
          %mul3A_609 = arith.mulf %get3A_608, %get3A_554 : vector<16xf32>
          %add3A_610 = arith.addf %add3A_547, %mul3A_609 : vector<16xf32>
          %mul3A_611 = arith.constant 8 : i32
          %mul3A_612 = arith.muli %scan3A_162, %mul3A_611 : i32
          %add3A_613 = arith.constant 7 : i32
          %add3A_614 = arith.addi %mul3A_612, %add3A_613 : i32
          %get3A_615 = arith.index_cast %add3A_614 : i32 to index
          %get3A_616 = arith.constant 0 : index
          %get3A_617 = tpu.vector_load %arg9[%get3A_615, %get3A_616] {strides = array<i32>} : memref<64x16xf32, #tpu.memory_space<vmem>>, vector<16xf32>,
          %add3A_618 = arith.constant 0 : i32
          %add3A_619 = arith.addi %mul3A_108, %add3A_618 : i32
          %get3A_620 = arith.index_cast %add3A_614 : i32 to index
          %get3A_621 = arith.index_cast %add3A_619 : i32 to index
          %get3A_622 = tpu.vector_load %arg6[%get3A_620, %get3A_621] {strides = array<i32>} : memref<64x768xf32, #tpu.memory_space<vmem>>, vector<16xf32>,
          %mul3A_623 = arith.mulf %get3A_622, %get3A_617 : vector<16xf32>
          %add3A_624 = arith.addf %add3A_561, %mul3A_623 : vector<16xf32>
          %add3A_625 = arith.constant 16 : i32
          %add3A_626 = arith.addi %mul3A_108, %add3A_625 : i32
          %get3A_627 = arith.index_cast %add3A_614 : i32 to index
          %get3A_628 = arith.index_cast %add3A_626 : i32 to index
          %get3A_629 = tpu.vector_load %arg6[%get3A_627, %get3A_628] {strides = array<i32>} : memref<64x768xf32, #tpu.memory_space<vmem>>, vector<16xf32>,
          %mul3A_630 = arith.mulf %get3A_629, %get3A_617 : vector<16xf32>
          %add3A_631 = arith.addf %add3A_568, %mul3A_630 : vector<16xf32>
          %add3A_632 = arith.constant 32 : i32
          %add3A_633 = arith.addi %mul3A_108, %add3A_632 : i32
          %get3A_634 = arith.index_cast %add3A_614 : i32 to index
          %get3A_635 = arith.index_cast %add3A_633 : i32 to index
          %get3A_636 = tpu.vector_load %arg6[%get3A_634, %get3A_635] {strides = array<i32>} : memref<64x768xf32, #tpu.memory_space<vmem>>, vector<16xf32>,
          %mul3A_637 = arith.mulf %get3A_636, %get3A_617 : vector<16xf32>
          %add3A_638 = arith.addf %add3A_575, %mul3A_637 : vector<16xf32>
          %add3A_639 = arith.constant 48 : i32
          %add3A_640 = arith.addi %mul3A_108, %add3A_639 : i32
          %get3A_641 = arith.index_cast %add3A_614 : i32 to index
          %get3A_642 = arith.index_cast %add3A_640 : i32 to index
          %get3A_643 = tpu.vector_load %arg6[%get3A_641, %get3A_642] {strides = array<i32>} : memref<64x768xf32, #tpu.memory_space<vmem>>, vector<16xf32>,
          %mul3A_644 = arith.mulf %get3A_643, %get3A_617 : vector<16xf32>
          %add3A_645 = arith.addf %add3A_582, %mul3A_644 : vector<16xf32>
          %add3A_646 = arith.constant 64 : i32
          %add3A_647 = arith.addi %mul3A_108, %add3A_646 : i32
          %get3A_648 = arith.index_cast %add3A_614 : i32 to index
          %get3A_649 = arith.index_cast %add3A_647 : i32 to index
          %get3A_650 = tpu.vector_load %arg6[%get3A_648, %get3A_649] {strides = array<i32>} : memref<64x768xf32, #tpu.memory_space<vmem>>, vector<16xf32>,
          %mul3A_651 = arith.mulf %get3A_650, %get3A_617 : vector<16xf32>
          %add3A_652 = arith.addf %add3A_589, %mul3A_651 : vector<16xf32>
          %add3A_653 = arith.constant 80 : i32
          %add3A_654 = arith.addi %mul3A_108, %add3A_653 : i32
          %get3A_655 = arith.index_cast %add3A_614 : i32 to index
          %get3A_656 = arith.index_cast %add3A_654 : i32 to index
          %get3A_657 = tpu.vector_load %arg6[%get3A_655, %get3A_656] {strides = array<i32>} : memref<64x768xf32, #tpu.memory_space<vmem>>, vector<16xf32>,
          %mul3A_658 = arith.mulf %get3A_657, %get3A_617 : vector<16xf32>
          %add3A_659 = arith.addf %add3A_596, %mul3A_658 : vector<16xf32>
          %add3A_660 = arith.constant 96 : i32
          %add3A_661 = arith.addi %mul3A_108, %add3A_660 : i32
          %get3A_662 = arith.index_cast %add3A_614 : i32 to index
          %get3A_663 = arith.index_cast %add3A_661 : i32 to index
          %get3A_664 = tpu.vector_load %arg6[%get3A_662, %get3A_663] {strides = array<i32>} : memref<64x768xf32, #tpu.memory_space<vmem>>, vector<16xf32>,
          %mul3A_665 = arith.mulf %get3A_664, %get3A_617 : vector<16xf32>
          %add3A_666 = arith.addf %add3A_603, %mul3A_665 : vector<16xf32>
          %add3A_667 = arith.constant 112 : i32
          %add3A_668 = arith.addi %mul3A_108, %add3A_667 : i32
          %get3A_669 = arith.index_cast %add3A_614 : i32 to index
          %get3A_670 = arith.index_cast %add3A_668 : i32 to index
          %get3A_671 = tpu.vector_load %arg6[%get3A_669, %get3A_670] {strides = array<i32>} : memref<64x768xf32, #tpu.memory_space<vmem>>, vector<16xf32>,
          %mul3A_672 = arith.mulf %get3A_671, %get3A_617 : vector<16xf32>
          %add3A_673 = arith.addf %add3A_610, %mul3A_672 : vector<16xf32>
          scf.yield %add3A_624, %add3A_631, %add3A_638, %add3A_645, %add3A_652, %add3A_659, %add3A_666, %add3A_673 : vector<16xf32>, vector<16xf32>, vector<16xf32>, vector<16xf32>, vector<16xf32>, vector<16xf32>, vector<16xf32>, vector<16xf32>
        }
        %scan3A_129 = arith.constant 8 : i32
        %add3A_130 = arith.constant 0 : i32
        %add3A_131 = arith.addi %mul3A_108, %add3A_130 : i32
        %swap3A = arith.index_cast %add3A_131 : i32 to index
        %swap3A_132 = tpu.vector_load %arg8[%swap3A] {strides = array<i32>} : memref<768xf32, #tpu.memory_space<vmem>>, vector<16xf32>,
        tpu.vector_store %arg8[%swap3A], %scan3A_128#0 {strides = array<i32>} : memref<768xf32, #tpu.memory_space<vmem>>, vector<16xf32>,
        %add3A_133 = arith.constant 16 : i32
        %add3A_134 = arith.addi %mul3A_108, %add3A_133 : i32
        %swap3A_135 = arith.index_cast %add3A_134 : i32 to index
        %swap3A_136 = tpu.vector_load %arg8[%swap3A_135] {strides = array<i32>} : memref<768xf32, #tpu.memory_space<vmem>>, vector<16xf32>,
        tpu.vector_store %arg8[%swap3A_135], %scan3A_128#1 {strides = array<i32>} : memref<768xf32, #tpu.memory_space<vmem>>, vector<16xf32>,
        %add3A_137 = arith.constant 32 : i32
        %add3A_138 = arith.addi %mul3A_108, %add3A_137 : i32
        %swap3A_139 = arith.index_cast %add3A_138 : i32 to index
        %swap3A_140 = tpu.vector_load %arg8[%swap3A_139] {strides = array<i32>} : memref<768xf32, #tpu.memory_space<vmem>>, vector<16xf32>,
        tpu.vector_store %arg8[%swap3A_139], %scan3A_128#2 {strides = array<i32>} : memref<768xf32, #tpu.memory_space<vmem>>, vector<16xf32>,
        %add3A_141 = arith.constant 48 : i32
        %add3A_142 = arith.addi %mul3A_108, %add3A_141 : i32
        %swap3A_143 = arith.index_cast %add3A_142 : i32 to index
        %swap3A_144 = tpu.vector_load %arg8[%swap3A_143] {strides = array<i32>} : memref<768xf32, #tpu.memory_space<vmem>>, vector<16xf32>,
        tpu.vector_store %arg8[%swap3A_143], %scan3A_128#3 {strides = array<i32>} : memref<768xf32, #tpu.memory_space<vmem>>, vector<16xf32>,
        %add3A_145 = arith.constant 64 : i32
        %add3A_146 = arith.addi %mul3A_108, %add3A_145 : i32
        %swap3A_147 = arith.index_cast %add3A_146 : i32 to index
        %swap3A_148 = tpu.vector_load %arg8[%swap3A_147] {strides = array<i32>} : memref<768xf32, #tpu.memory_space<vmem>>, vector<16xf32>,
        tpu.vector_store %arg8[%swap3A_147], %scan3A_128#4 {strides = array<i32>} : memref<768xf32, #tpu.memory_space<vmem>>, vector<16xf32>,
        %add3A_149 = arith.constant 80 : i32
        %add3A_150 = arith.addi %mul3A_108, %add3A_149 : i32
        %swap3A_151 = arith.index_cast %add3A_150 : i32 to index
        %swap3A_152 = tpu.vector_load %arg8[%swap3A_151] {strides = array<i32>} : memref<768xf32, #tpu.memory_space<vmem>>, vector<16xf32>,
        tpu.vector_store %arg8[%swap3A_151], %scan3A_128#5 {strides = array<i32>} : memref<768xf32, #tpu.memory_space<vmem>>, vector<16xf32>,
        %add3A_153 = arith.constant 96 : i32
        %add3A_154 = arith.addi %mul3A_108, %add3A_153 : i32
        %swap3A_155 = arith.index_cast %add3A_154 : i32 to index
        %swap3A_156 = tpu.vector_load %arg8[%swap3A_155] {strides = array<i32>} : memref<768xf32, #tpu.memory_space<vmem>>, vector<16xf32>,
        tpu.vector_store %arg8[%swap3A_155], %scan3A_128#6 {strides = array<i32>} : memref<768xf32, #tpu.memory_space<vmem>>, vector<16xf32>,
        %add3A_157 = arith.constant 112 : i32
        %add3A_158 = arith.addi %mul3A_108, %add3A_157 : i32
        %swap3A_159 = arith.index_cast %add3A_158 : i32 to index
        %swap3A_160 = tpu.vector_load %arg8[%swap3A_159] {strides = array<i32>} : memref<768xf32, #tpu.memory_space<vmem>>, vector<16xf32>,
        tpu.vector_store %arg8[%swap3A_159], %scan3A_128#7 {strides = array<i32>} : memref<768xf32, #tpu.memory_space<vmem>>, vector<16xf32>,
        %scan3A_161 = arith.constant 0 : i32
        scf.yield %scan3A_161 : i32
      }
      %scan3A_96 = arith.constant 6 : i32
      %mul3A_97 = arith.constant 32 : i32
      %mul3A_98 = arith.muli %mul3A_97, %add3A_66 : i32
      %add3A_99 = arith.addi %add3A, %mul3A_98 : i32
      %mul3A_100 = arith.constant 768 : i32
      %mul3A_101 = arith.muli %add3A_99, %mul3A_100 : i32
      %dma_start3A_102 = tpu.memref_slice %arg4[%mul3A_101] : memref<196608xf32, #tpu.memory_space<hbm>> -> memref<768xf32, #tpu.memory_space<hbm>>
      %dma_start3A_103 = tpu.memref_slice %arg4[%mul3A_101] : memref<196608xf32, #tpu.memory_space<hbm>> -> memref<768xf32, #tpu.memory_space<hbm>>
      tpu.enqueue_dma source(%arg8 : memref<768xf32, #tpu.memory_space<vmem>>) target(%dma_start3A_103 : memref<768xf32, #tpu.memory_space<hbm>>) target_semaphore(%arg13 : memref<!tpu.dma_semaphore, #tpu.memory_space<semaphore_mem>>)
      %scan3A_104 = arith.constant 0 : i32
      scf.yield %scan3A_104 : i32
    }
    %scan3A_13 = arith.constant 4 : i32
    %add3A_14 = arith.constant 192 : i32
    %add3A_15 = arith.addi %add3A, %add3A_14 : i32
    %mul3A_16 = arith.constant 768 : i32
    %mul3A_17 = arith.muli %add3A_15, %mul3A_16 : i32
    %dma_wait3A = tpu.memref_slice %arg4[%mul3A_17] : memref<196608xf32, #tpu.memory_space<hbm>> -> memref<768xf32, #tpu.memory_space<hbm>>
    %dma_wait3A_18 = tpu.memref_slice %arg4[%mul3A_17] : memref<196608xf32, #tpu.memory_space<hbm>> -> memref<768xf32, #tpu.memory_space<hbm>>
    tpu.wait_dma2 semaphore(%arg12 : memref<!tpu.dma_semaphore, #tpu.memory_space<semaphore_mem>>) src(%arg7 : memref<768xf32, #tpu.memory_space<vmem>>) dst(%dma_wait3A_18 : memref<768xf32, #tpu.memory_space<hbm>>)
    %add3A_19 = arith.constant 224 : i32
    %add3A_20 = arith.addi %add3A, %add3A_19 : i32
    %mul3A_21 = arith.constant 768 : i32
    %mul3A_22 = arith.muli %add3A_20, %mul3A_21 : i32
    %dma_wait3A_23 = tpu.memref_slice %arg4[%mul3A_22] : memref<196608xf32, #tpu.memory_space<hbm>> -> memref<768xf32, #tpu.memory_space<hbm>>
    %dma_wait3A_24 = tpu.memref_slice %arg4[%mul3A_22] : memref<196608xf32, #tpu.memory_space<hbm>> -> memref<768xf32, #tpu.memory_space<hbm>>
    tpu.wait_dma2 semaphore(%arg13 : memref<!tpu.dma_semaphore, #tpu.memory_space<semaphore_mem>>) src(%arg8 : memref<768xf32, #tpu.memory_space<vmem>>) dst(%dma_wait3A_24 : memref<768xf32, #tpu.memory_space<hbm>>)
    return
  }
}

module attributes {stable_mosaic.version = 14 : i64} {
  func.func @_tc_body(%arg0: i32, %arg1: memref<64x1xf32, #tpu.memory_space<vmem>>, %arg2: memref<64x32768xf32, #tpu.memory_space<vmem>>, %arg3: memref<32768xf32, #tpu.memory_space<vmem>>) attributes {dimension_semantics = [#tpu.dimension_semantics<arbitrary>], iteration_bounds = array<i64: 25>, scalar_prefetch = 0 : i64, scratch_operands = 0 : i64, tpu.core_type = #tpu.core_type<tc>, window_params = [{pipeline_mode = #tpu.pipeline_mode<synchronous>, transform_indices = @transform_0, window_bounds = array<i64: 64, 1>}, {transform_indices = @transform_1, window_bounds = array<i64: 64, 32768>}, {transform_indices = @transform_2, window_bounds = array<i64: 32768>}]} {
    %get3A = arith.constant 0 : index
    %get3A_0 = arith.constant 0 : index
    %get3A_1 = vector.load %arg2[%get3A, %get3A_0] : memref<64x32768xf32, #tpu.memory_space<vmem>>, vector<64x32768xf32>
    %get3A_2 = arith.constant 0 : index
    %get3A_3 = arith.constant 0 : index
    %get3A_4 = vector.load %arg1[%get3A_2, %get3A_3] : memref<64x1xf32, #tpu.memory_space<vmem>>, vector<64x1xf32>
    %mul3A = vector.broadcast %get3A_4 : vector<64x1xf32> to vector<64x32768xf32>
    %mul3A_5 = arith.mulf %get3A_1, %mul3A : vector<64x32768xf32>
    %reduce_sum3A = arith.constant dense<0.000000e+00> : vector<32768xf32>
    %reduce_sum3A_6 = vector.multi_reduction <add>, %mul3A_5, %reduce_sum3A [0] : vector<64x32768xf32> to vector<32768xf32>
    %swap3A = arith.constant 0 : index
    %swap3A_7 = vector.load %arg3[%swap3A] : memref<32768xf32, #tpu.memory_space<vmem>>, vector<32768xf32>
    tpu.vector_store %arg3[%swap3A], %reduce_sum3A_6 {strides = array<i32>} : memref<32768xf32, #tpu.memory_space<vmem>>, vector<32768xf32>,
    return
  }
  func.func @transform_0(%arg0: i32) -> (i32, i32) {
    %c0_i32 = arith.constant 0 : i32
    %c0_i32_0 = arith.constant 0 : i32
    %c0_i32_1 = arith.constant 0 : i32
    return %c0_i32, %c0_i32_0 : i32, i32
  }
  func.func @transform_1(%arg0: i32) -> (i32, i32) {
    %add3A = arith.constant 6 : i32
    %add3A_0 = arith.addi %arg0, %add3A : i32
    %c0_i32 = arith.constant 0 : i32
    %c0_i32_1 = arith.constant 0 : i32
    return %c0_i32, %add3A_0 : i32, i32
  }
  func.func @transform_2(%arg0: i32) -> i32 {
    %c0_i32 = arith.constant 0 : i32
    return %arg0 : i32
  }
}

</mosaic_0001>

<sc_bundles>
// kernel: _hybrid.4.cloned.1.call-start
scs
__scs_entry_jumppad:
0x0: {  	(pc) =	sbr.rel $0x88, $3  }
0x1: {  	(tag) =	ssettag $0x0;
	lr =	simm.s32 $0x1  }
0x2: {  	[smem:$0x3F9E] =	sst lr;
	_ =	strace $0xD0000000  }
0x3: {  	_ = 	snop  }
0x4: {  	_ = 	snop  }
0x5: {  	_ = 	snop  }
0x6: {  	_ = 	snop  }
0x7: {  	_ = 	snop  }
__scs_overlays_trampoline_lowered:
0x8: {  	[smem:$0x3FAD] =	sst s0  }
0x9: {  	[smem:$0x3FAE] =	sst s1  }
0xa: {  	[smem:$0x3FAF] =	sst s2  }
0xb: {  	[smem:$0x3FB0] =	sst s3  }
0xc: {  	[smem:$0x3FB1] =	sst s4  }
0xd: {  	[smem:$0x3FB2] =	sst s5  }
0xe: {  	[smem:$0x3FB3] =	sst s6  }
0xf: {  	[smem:$0x3FB4] =	sst s7  }
0x10: {  	[smem:$0x3FB5] =	sst s8  }
0x11: {  	[smem:$0x3FB6] =	sst s9;
	s0 =	simm.s32 @!p0 $0x0  }
0x12: {  	s1 =	sld [smem:$0x3F9C];
	s0 =	simm.s32 @p0 $0x1  }
0x13: {  	[smem:$0x3FB7] =	sst s0;
	s0 =	simm.s32 @!p1 $0x0  }
0x14: {  	s2 =	sld [smem:$0x3F9B];
	s0 =	simm.s32 @p1 $0x1  }
0x15: {  	[smem:$0x3FB8] =	sst s0;
	s0 =	simm.s32 @!p2 $0x0  }
0x16: {  	s3 =	sld [smem:$0x3FDB];
	s0 =	simm.s32 @p2 $0x1  }
0x17: {  	s4 =	simm.s32 $0x1BF5;
	[smem:$0x3FBA] =	sst s0  }
0x18: {  	s0 =	sld [smem:$0x3F9D];
	_ =	swait.ge [sflag:s4], $0x0  }
0x19: {  	s7 =	sld [smem:$0x3F9E]  }
0x1a: {  	s8 =	sadd.s32 $0xFFFFE003, lr  }
0x1b: {  	s9 =	sadd.s32 $0xFFFFFEF7, lr;
	s5 =	simm.s32 $0xFFFFFFFF;
	p2 =	slt.u32 s8, $0xFFFFF086  }
0x1c: {  	p1 =	slt.u32 s9, $0xF7A;
	s5 =	simm.s32 @!p2 $0x0  }
0x1d: {  	s5 =	simm.s32 @p1 $0x1;
	p0 =	seq.s32 s7, s2  }
0x1e: {  	s7 =	smul.u32 @!p0 $0xF7A, s2;
	p2 =	seq.s32 @!p0 s5, $0x0  }
0x1f: {  	s9 =	smul.u32 $0xF7A, s1;
	s8 =	simm.s32 @!p0 $0x1BF5;
	p2 =	por !p2, p0  }
0x20: {  	[sflag:s8] =	ssyncset.s32 @!p0 $0xFFFFF086;
	s6 =	sadd.s32 @!p0 s3, s7;
	s7 =	simm.s32 @!p0 $0x108  }
0x21: {  	s3 =	sadd.s32 s3, s9;
	s6 =	sadd.s32 @!p0 $0x88, s6;
	s7 =	simm.s32 @p2 $0x1082  }
0x22: {  	[simem:s7], [sflag:s8] =	dma.local @!p0 [hbm:s6], $0xF7A  }
0x23: {  	s9 =	sor.u32 $0xD0000000, s2;
	s6 =	simm.s32 $0x108;
	_ =	swait.ge @!p0 [sflag:s8], $0x0  }
0x24: {  	s3 =	sadd.s32 $0x88, s3;
	s6 =	simm.s32 @!p1 $0x1082;
	[sflag:s4] =	ssyncset.s32 $0xFFFFF086  }
0x25: {  	[simem:s6], [sflag:s4] =	dma.local [hbm:s3], $0xF7A  }
0x26: {  	[smem:$0x3F9E] =	sst s1;
	(tag) =	ssettag s2;
	_ =	strace s9  }
0x27: {  	s1 =	sld [smem:$0x3FAE]  }
0x28: {  	s2 =	sld [smem:$0x3FAF]  }
0x29: {  	s4 =	sld [smem:$0x3FB1]  }
0x2a: {  	p0 =	seq.s32 s5, $0x0;
	s5 =	sld [smem:$0x3FB2]  }
0x2b: {  	s6 =	sld [smem:$0x3FB3]  }
0x2c: {  	s7 =	sld [smem:$0x3FB4]  }
0x2d: {  	s3 =	simm.s32 $0x108;
	s8 =	sld [smem:$0x3FB5]  }
0x2e: {  	s3 =	simm.s32 @!p0 $0x1082;
	s9 =	sld [smem:$0x3FB6]  }
0x2f: {  	lr =	sadd.s32 s0, s3;
	s0 =	sld [smem:$0x3FAD]  }
0x30: {  	s3 =	sld [smem:$0x3FB0]  }
0x31: {  	[smem:$0x3FB9] =	sst s10  }
0x32: {  	s10 =	sld [smem:$0x3FB7];
	_ =	sdelay $0x3  }
0x33: {  	p0 =	seq.s32 s10, $0x1;
	s10 =	sld [smem:$0x3FB9];
	_ =	sdelay $0x3  }
0x34: {  	[smem:$0x3FB9] =	sst s10  }
0x35: {  	s10 =	sld [smem:$0x3FB8];
	_ =	sdelay $0x3  }
0x36: {  	p1 =	seq.s32 s10, $0x1;
	s10 =	sld [smem:$0x3FB9];
	_ =	sdelay $0x3  }
0x37: {  	[smem:$0x3FB9] =	sst s10  }
0x38: {  	s10 =	sld [smem:$0x3FBA]  }
0x39: {  	_ = 	snop;
	(pc) =	sbr.ind lr, $3  }
0x3a: {  	_ = 	snop  }
0x3b: {  	_ = 	snop  }
0x3c: {  	p2 =	seq.s32 s10, $0x1;
	s10 =	sld [smem:$0x3FB9]  }
0x3d: {  	_ =	shalt  }
0x3e: {  	_ =	shalt  }
0x3f: {  	_ =	shalt  }
0x40: {  	_ =	shalt  }
0x41: {  	_ =	shalt  }
0x42: {  	_ =	shalt  }
0x43: {  	_ =	shalt  }
0x44: {  	_ =	shalt  }
0x45: {  	_ =	shalt  }
0x46: {  	_ =	shalt  }
0x47: {  	_ =	shalt  }
0x48: {  	_ =	shalt  }
0x49: {  	_ =	shalt  }
0x4a: {  	_ =	shalt  }
0x4b: {  	_ =	shalt  }
0x4c: {  	_ =	shalt  }
0x4d: {  	_ =	shalt  }
0x4e: {  	_ =	shalt  }
0x4f: {  	_ =	shalt  }
0x50: {  	_ =	shalt  }
0x51: {  	_ =	shalt  }
0x52: {  	_ =	shalt  }
0x53: {  	_ =	shalt  }
0x54: {  	_ =	shalt  }
0x55: {  	_ =	shalt  }
0x56: {  	_ =	shalt  }
0x57: {  	_ =	shalt  }
0x58: {  	_ =	shalt  }
0x59: {  	_ =	shalt  }
0x5a: {  	_ =	shalt  }
0x5b: {  	_ =	shalt  }
0x5c: {  	_ =	shalt  }
0x5d: {  	_ =	shalt  }
0x5e: {  	_ =	shalt  }
0x5f: {  	_ =	shalt  }
0x60: {  	_ =	shalt  }
0x61: {  	_ =	shalt  }
0x62: {  	_ =	shalt  }
0x63: {  	_ =	shalt  }
0x64: {  	_ =	shalt  }
0x65: {  	_ =	shalt  }
0x66: {  	_ =	shalt  }
0x67: {  	_ =	shalt  }
0x68: {  	_ =	shalt  }
0x69: {  	_ =	shalt  }
0x6a: {  	_ =	shalt  }
0x6b: {  	_ =	shalt  }
0x6c: {  	_ =	shalt  }
0x6d: {  	_ =	shalt  }
0x6e: {  	_ =	shalt  }
0x6f: {  	_ =	shalt  }
0x70: {  	_ =	shalt  }
0x71: {  	_ =	shalt  }
0x72: {  	_ =	shalt  }
0x73: {  	_ =	shalt  }
0x74: {  	_ =	shalt  }
0x75: {  	_ =	shalt  }
0x76: {  	_ =	shalt  }
0x77: {  	_ =	shalt  }
0x78: {  	_ =	shalt  }
0x79: {  	_ =	shalt  }
0x7a: {  	_ =	shalt  }
0x7b: {  	_ =	shalt  }
0x7c: {  	_ =	shalt  }
0x7d: {  	_ =	shalt  }
0x7e: {  	_ =	shalt  }
0x7f: {  	_ =	shalt  }
0x80: {  	_ =	shalt  }
0x81: {  	_ =	shalt  }
0x82: {  	_ =	shalt  }
0x83: {  	_ =	shalt  }
0x84: {  	_ =	shalt  }
0x85: {  	_ =	shalt  }
0x86: {  	_ =	shalt  }
0x87: {  	_ =	shalt  }
.Lfunc_end0:
.L_simem_size_0:
called_computation_lowered:
.L_overlay_start_0:
0x88: {  	s2 =	sld [smem:$0x3FD9]  }
0x89: {  	s3 =	sld [smem:$0x3FFE];
	_ =	sdelay $0x1  }
0x8a: {  	s1 =	srdreg.scid  }
0x8b: {  	s0 =	sand.u32 $0x1, s1  }
0x8c: {  	s17 =	sshll.u32 s0, $0xA;
	s2 =	sadd.s32 s3, s2  }
0x8d: {  	s2 =	sadd.s32 s2, s17  }
0x8e: {  	[smem:$0x3FC5] =	sst s2  }
0x8f: {  	_ = 	snop  }
0x90: {  	s2 =	sld [smem:$0x3FC9]  }
0x91: {  	s18 =	sld [smem:$0x3FD0];
	(tm) =	ssettm $0x1  }
0x92: {  	s4 =	sld [smem:$0x3FFB];
	_ =	sdelay $0x3  }
0x93: {  	_ =	strace s4  }
0x94: {  	s4 =	sld [smem:$0x3FFC];
	_ =	sdelay $0x3  }
0x95: {  	_ =	strace s4  }
0x96: {  	s4 =	sld [smem:$0x3FFD];
	_ =	sdelay $0x3  }
0x97: {  	_ =	strace s4  }
0x98: {  	_ =	strace $0x8FFFFFFF  }
0x99: {  	s19 =	sld [smem:$0x3FDB];
	_ =	sdelay $0x1  }
0x9a: {  	s5 =	simm.s32 $_scs_section_size  }
0x9b: {  	s6 =	simm.s32 $_size__tile_overlayer_lowered;
	s7 =	simm.s32 $_tile_overlayer_lowered  }
0x9c: {  	s22 =	simm.s32 $0x1BFF;
	s21 =	sshll.u32 s7, $0x1;
	s4 =	sadd.s32 s5, s19  }
0x9d: {  	s8 =	simm.s32 $0x0;
	s20 =	sshll.u32 s6, $0x1;
	s6 =	sadd.s32 s21, s4  }
0x9e: {  	[timem:s8], [sflag:s22] =	dma.local [hbm:s6], s20  }
0x9f: {  	_ =	swait.ge [sflag:s22], s20  }
0xa0: {  	s5 =	ssub.s32 $0x0, s20;
	[sflag:s22] =	ssyncset.done $0x0  }
0xa1: {  	[sflag:s22] =	ssyncadd.s32 s5;
	_ =	sdelay $0x1  }
0xa2: {  	s23 =	simm.s32 $0x1B8B  }
0xa3: {  	_ =	swait.ge [sflag:s23], $0x1  }
0xa4: {  	[sflag:s23] =	ssyncset.done $0x0  }
0xa5: {  	s25 =	simm.s32 $0x1B8E;
	s24 =	sld [smem:$0x3FFE];
	[sflag:s23] =	ssyncadd.s32 $0xFFFFFFFF  }
0xa6: {  	s26 =	simm.s32 $execute0_lowered;
	[smem:$0x3FD2] =	sst s25  }
0xa7: {  	s6 =	sshll.u32 s26, $0x1;
	_ =	strace $0x80000046;
	[dreg:$0x1] =	wrdreg $0xFFFFFFFF  }
0xa8: {  	s28 =	simm.s32 $_size_execute0_lowered;
	s4 =	sadd.s32 s4, s6;
	[dreg:$0x0] =	wrdreg $0x0  }
0xa9: {  	s6 =	sshll.u32 s28, $0x1;
	[dreg:$0x2] =	wrdreg s4  }
0xaa: {  	[dreg:$0x3] =	wrdreg s6  }
0xab: {  	[dreg:$0x4] =	wrdreg $0xC0  }
0xac: {  	_ =	task [dreg:s8], $0x5FFFF  }
0xad: {  	[dreg:$0x1] =	wrdreg $0xFFFFFFFF  }
0xae: {  	[dreg:$0x0] =	wrdreg $0x60  }
0xaf: {  	[dreg:$0x2] =	wrdreg s2  }
0xb0: {  	[dreg:$0x3] =	wrdreg s18  }
0xb1: {  	[dreg:$0x4] =	wrdreg s24  }
0xb2: {  	[dreg:$0x5] =	wrdreg $0x9  }
0xb3: {  	_ =	task.clear_ibuf [dreg:s8], $0x6FFFF;
	_ =	strace $0x90000046  }
0xb4: {  	s29 =	simm.s32 $0x9;
	_ =	strace $0x80000048  }
0xb5: {  	_ =	swait.ge [sflag:s29], $0x1  }
0xb6: {  	[sflag:s29] =	ssyncadd.s32 $0xFFFFFFFF  }
0xb7: {  	_ =	strace $0x90000048  }
0xb8: {  	_ =	sfence  }
0xb9: {  	s30 =	sld [smem:$0x0];
	_ =	sdelay $0x2  }
0xba: {  	s31 =	sshll.u32 s1, $0xD;
	s1 =	sshrl.u32 s1, $0x2  }
0xbb: {  	s3 =	sand.u32 $0x4000, s31;
	s1 =	sadd.s32 s1, s30  }
0xbc: {  	s0 =	sor.u32 s3, s0;
	s1 =	sshll.u32 s1, $0x11  }
0xbd: {  	s0 =	sor.u32 s1, s0  }
0xbe: {  	s0 =	sadd.s32 $0x8F2B, s0  }
0xbf: {  	[sflag:s0] =	ssyncadd.remote.s32 $0x1  }
0xc0: {  	_ =	sfence.sel $0xFFFF  }
0xc1: {  	[dreg:$0x0] =	wrdreg $0xFFFFFFFF;
	(pc) =	sbr.abs _section_cstart, $3  }
0xc2: {  	[dreg:$0x1] =	wrdreg $0xFFFFFFFF  }
0xc3: {  	_ =	task.clear_ibuf [dreg:s8], $0x2FFFF;
	_ =	strace $0x9FFFFFFF  }
0xc4: {  	(tm) =	ssettm $0x7FFFFFFF  }
0xc5: {  	_ =	shalt  }
tec
execute0_lowered:
.L_overlay_start_1:
0x0: {  	(tag) =	ssettag $0x1  }
0x1: {  	s1 =	rddreg [dreg:$0x0]  }
0x2: {  	s3 =	rddreg [dreg:$0x1];
	s2 =	srdreg.scid  }
0x3: {  	s0 =	stileid.u32;
	s6 =	rddreg [dreg:$0x2]  }
0x4: {  	s4 =	simm.s32 $0x0;
	s11 =	simm.s32 $0x18600;
	s12 =	simm.s32 $0x5  }
0x5: {  	s13 =	simm.s32 $0x1800;
	s14 =	simm.s32 $0x7A1400;
	s15 =	simm.s32 $0xC000  }
0x6: {  	s16 =	simm.s32 $0x1;
	s17 =	simm.s32 $0x18000;
	s18 =	simm.s32 $0x2  }
0x7: {  	s19 =	simm.s32 $0x4;
	s20 =	simm.s32 $0x18300;
	s21 =	simm.s32 $0x3  }
0x8: {  	s22 =	simm.s32 $0x0;
	s2 =	sand.u32 $0x1, s2;
	s5 =	sshll.u32 s0, $0x1  }
0x9: {  	[smem:$0x7FF] =	sst s4;
	s5 =	sor.u32 s2, s5;
	s2 =	ssub.s32 $0x2, s2  }
0xa: {  	s6 =	sadd.s32 $0x600, s6;
	s7 =	smul.u32 $0x300, s5;
	s8 =	sshrl.u32 s2, $0x1  }
0xb: {  	_ =	strace $0x80000047;
	s9 =	sor.u32 $0x40, s5;
	s2 =	ssub.s32 s2, s8  }
0xc: {  	s8 =	sor.u32 $0x20, s5;
	s7 =	sadd.s32 s1, s7;
	s10 =	smax.u32 s2, $0x1  }
.LBB2_1:
0xd: {  	[tilespmem:s11], [sflag:$0x5] =	stream.linear.gather [hbm4b:s3+s4], $0x2000, $0x38;
	[tilespmem:$0x1A600] =	vst v63  }
0xe: {  	_ =	swait.ge [sflag:s12], $0x2000  }
0xf: {  	[sflag:s12] =	ssyncset.done $0x0  }
0x10: {  	s23 =	simm.s32 $0x0;
	[sflag:s12] =	ssyncadd.s32 $0xFFFFE000  }
0x11: {  	[tilespmem:s4], [sflag:$0x1] =	stream.strided.gather [hbm4b:s7+s13], $0xC000, s14, s13, $0x38;
	[tilespmem:$0x1A600] =	vst v63  }
.LBB2_2:
0x12: {  	s25 =	sshll.u32 s23, $0x6  }
0x13: {  	s24 =	sor.u32 s8, s25  }
0x14: {  	s2 =	smul.u32 $0x300, s24;
	_ =	sdelay $0x1  }
0x15: {  	s2 =	sadd.s32 s1, s2  }
0x16: {  	[tilespmem:s15], [sflag:$0x2] =	stream.strided.gather [hbm4b:s2+s13], $0xC000, s14, s13, $0x38;
	[tilespmem:$0x1A600] =	vst v63  }
0x17: {  	_ =	swait.ge [sflag:s16], $0xC000  }
0x18: {  	p0 =	seq.s32 s23, $0x0;
	[sflag:s16] =	ssyncset.done $0x0  }
0x19: {  	s2 =	simm.s32 @!p0 $0x3;
	[sflag:s16] =	ssyncadd.s32 $0xFFFF4000  }
0x1a: {  	_ =	swait.ge @!p0 [sflag:s2], $0x300  }
0x1b: {  	s28 =	simm.s32 $0x0;
	[sflag:s2] =	ssyncset.done @!p0 $0x0  }
0x1c: {  	s29 =	simm.s32 $0x200;
	s26 =	sor.u32 s5, s25;
	[sflag:s2] =	ssyncadd.s32 @!p0 $0xFFFFFD00  }
.LBB2_3:
0x1d: {  	v3 =	vld [tilespmem:s29+$0x180]  }
0x1e: {  	v4 =	vld [tilespmem:s29+$0x190]  }
0x1f: {  	v6 =	vld [tilespmem:s29+$0x1A0]  }
0x20: {  	v7 =	vld [tilespmem:s29+$0x1B0]  }
0x21: {  	v9 =	vld [tilespmem:s29+$0x1C0]  }
0x22: {  	v10 =	vld [tilespmem:s29+$0x1D0]  }
0x23: {  	v12 =	vld [tilespmem:s29+$0x100]  }
0x24: {  	v13 =	vld [tilespmem:s29+$0x110]  }
0x25: {  	v14 =	vld [tilespmem:s29+$0x120]  }
0x26: {  	v19 =	vld [tilespmem:s29+$0x130]  }
0x27: {  	v20 =	vld [tilespmem:s29+$0x140]  }
0x28: {  	v21 =	vld [tilespmem:s29+$0x150]  }
0x29: {  	v22 =	vld [tilespmem:s29+$0x80]  }
0x2a: {  	v27 =	vld [tilespmem:s29+$0x90]  }
0x2b: {  	v28 =	vld [tilespmem:s29+$0xA0]  }
0x2c: {  	v29 =	vld [tilespmem:s29+$0xB0]  }
0x2d: {  	v30 =	vld [tilespmem:s29+$0xC0]  }
0x2e: {  	v31 =	vld [tilespmem:s29+$0xD0]  }
0x2f: {  	v36 =	vld [tilespmem:s29+$0x0]  }
0x30: {  	v37 =	vld [tilespmem:s29+$0x10]  }
0x31: {  	v38 =	vld [tilespmem:s29+$0x20]  }
0x32: {  	v39 =	vld [tilespmem:s29+$0x30]  }
0x33: {  	v40 =	vld [tilespmem:s29+$0x40]  }
0x34: {  	v41 =	vld [tilespmem:s29+$0x50]  }
0x35: {  	s2 =	simm.s32 $0x0;
	v42 =	vld [tilespmem:s29+$0xFFFFFF80]  }
0x36: {  	v0 =	vld [tilespmem:s2+$0x18980]  }
0x37: {  	v43 =	vld [tilespmem:s29+$0xFFFFFF90]  }
0x38: {  	v44 =	vld [tilespmem:s29+$0xFFFFFF00]  }
0x39: {  	v1 =	vld [tilespmem:s2+$0x18900]  }
0x3a: {  	v45 =	vld [tilespmem:s29+$0xFFFFFF10]  }
0x3b: {  	v46 =	vld [tilespmem:s29+$0xFFFFFE90];
	v17 =	vmul.f32 v3, v0;
	v18 =	vmul.f32 v4, v0  }
0x3c: {  	v2 =	vld [tilespmem:s2+$0x18880];
	v16 =	vmul.f32 v6, v0;
	v15 =	vmul.f32 v7, v0  }
0x3d: {  	v5 =	vld [tilespmem:s2+$0x18800];
	v4 =	vmul.f32 v9, v0;
	v3 =	vmul.f32 v10, v0  }
0x3e: {  	v8 =	vld [tilespmem:s2+$0x18780];
	v25 =	vmul.f32 v12, v1;
	v26 =	vmul.f32 v13, v1  }
0x3f: {  	v11 =	vld [tilespmem:s2+$0x18700];
	v23 =	vmul.f32 v14, v1;
	v24 =	vmul.f32 v19, v1  }
0x40: {  	v12 =	vld [tilespmem:s29+$0xFFFFFE80];
	v7 =	vmul.f32 v20, v1;
	v6 =	vmul.f32 v21, v1  }
0x41: {  	v19 =	vld [tilespmem:s2+$0x18680];
	v34 =	vmul.f32 v22, v2;
	v35 =	vmul.f32 v27, v2  }
0x42: {  	v20 =	vld [tilespmem:s29+$0xFFFFFE00];
	v32 =	vmul.f32 v28, v2;
	v33 =	vmul.f32 v29, v2  }
0x43: {  	v21 =	vld [tilespmem:s29+$0xFFFFFE10];
	v10 =	vmul.f32 v30, v2;
	v9 =	vmul.f32 v31, v2  }
0x44: {  	v22 =	vld [tilespmem:s29+$0xFFFFFE20];
	v30 =	vmul.f32 v36, v5;
	v47 =	vmul.f32 v37, v5  }
0x45: {  	v31 =	vld [tilespmem:s2+$0x18600];
	v48 =	vmul.f32 v38, v5;
	v49 =	vmul.f32 v39, v5  }
0x46: {  	v27 =	vld [tilespmem:s29+$0xFFFFFE30];
	v14 =	vmul.f32 v40, v5;
	v13 =	vmul.f32 v41, v5  }
0x47: {  	v28 =	vld [tilespmem:s29+$0xFFFFFEA0];
	v29 =	vmul.f32 v42, v8;
	v36 =	vmul.f32 v43, v8  }
0x48: {  	v61 =	vld [tilespmem:s29+$0xFFFFFEB0];
	v62 =	vmul.f32 v44, v11;
	v63 =	vmul.f32 v45, v11  }
0x49: {  	v52 =	vld [tilespmem:s29+$0xFFFFFF20];
	v50 =	vmul.f32 v12, v19;
	v51 =	vmul.f32 v46, v19  }
0x4a: {  	v53 =	vld [tilespmem:s29+$0xFFFFFF30];
	v20 =	vmul.f32 v20, v31;
	v21 =	vmul.f32 v21, v31  }
0x4b: {  	v54 =	vld [tilespmem:s29+$0xFFFFFFA0];
	v12 =	vimm.f32 $0.0e+00;
	v22 =	vmul.f32 v22, v31;
	v27 =	vmul.f32 v27, v31  }
0x4c: {  	v55 =	vld [tilespmem:s29+$0xFFFFFFB0];
	v28 =	vmul.f32 v28, v19;
	v20 =	vadd.f32 v20, v12;
	v21 =	vadd.f32 v21, v12  }
0x4d: {  	v59 =	vld [tilespmem:s29+$0xFFFFFF40];
	v37 =	vmul.f32 v61, v19;
	v22 =	vadd.f32 v22, v12;
	v27 =	vadd.f32 v27, v12  }
0x4e: {  	v60 =	vld [tilespmem:s29+$0xFFFFFF50];
	v57 =	vmul.f32 v52, v11;
	v20 =	vadd.f32 v50, v20;
	v21 =	vadd.f32 v51, v21  }
0x4f: {  	v58 =	vld [tilespmem:s29+$0xFFFFFFD0];
	v22 =	vadd.f32 v28, v22;
	v27 =	vadd.f32 v37, v27;
	v28 =	vmul.f32 v53, v11  }
0x50: {  	v56 =	vld [tilespmem:s29+$0xFFFFFFC0];
	v61 =	vmul.f32 v54, v8;
	v20 =	vadd.f32 v62, v20;
	v21 =	vadd.f32 v63, v21  }
0x51: {  	v22 =	vadd.f32 v57, v22;
	v62 =	vadd.f32 v28, v27;
	v63 =	vmul.f32 v55, v8  }
0x52: {  	v38 =	vmul.f32 v59, v11;
	v27 =	vld [tilespmem:s29+$0xFFFFFEC0];
	v20 =	vadd.f32 v29, v20;
	v21 =	vadd.f32 v36, v21  }
0x53: {  	v39 =	vmul.f32 v60, v11;
	v28 =	vld [tilespmem:s29+$0xFFFFFED0];
	v22 =	vadd.f32 v61, v22;
	v40 =	vadd.f32 v63, v62  }
0x54: {  	v37 =	vmul.f32 v58, v8;
	v29 =	vld [tilespmem:s29+$0xFFFFFE40];
	v41 =	vadd.f32 v30, v20;
	v42 =	vadd.f32 v47, v21  }
0x55: {  	v36 =	vmul.f32 v56, v8;
	v30 =	vld [tilespmem:s29+$0xFFFFFE50];
	v43 =	vadd.f32 v48, v22;
	v44 =	vadd.f32 v49, v40  }
0x56: {  	s31 =	simm.s32 $0x1000;
	s30 =	smov.u32 s29;
	v40 =	vld [tilespmem:s29+$0xFFFFFE60];
	v22 =	vimm.f32 $0.0e+00;
	v21 =	vimm.f32 $0.0e+00;
	v20 =	vimm.f32 $0.0e+00  }
.LBB2_4:
0x57: {  	p1 =	sne.s32 s31, $0x7000;
	v45 =	vld [tilespmem:s30+$0xFFFFFE70];
	v46 =	vmul.f32 v27, v19;
	v27 =	vadd.f32 v34, v41;
	v34 =	vadd.f32 v35, v42  }
0x58: {  	v35 =	vmul.f32 v28, v19;
	v41 =	vld [tilespmem:s30+$0xFFFFFEE0];
	v28 =	vadd.f32 v32, v43;
	v32 =	vadd.f32 v33, v44  }
0x59: {  	v33 =	vmul.f32 v29, v31;
	v42 =	vld [tilespmem:s30+$0xFFFFFEF0];
	v25 =	vadd.f32 v25, v27;
	v26 =	vadd.f32 v26, v34  }
0x5a: {  	v34 =	vmul.f32 v30, v31;
	v43 =	vld [tilespmem:s30+$0xFFFFFF60];
	v23 =	vadd.f32 v23, v28;
	v24 =	vadd.f32 v24, v32  }
0x5b: {  	v32 =	vmul.f32 v40, v31;
	v40 =	vld [tilespmem:s30+$0xFFFFFF70];
	v27 =	vadd.f32 v17, v25;
	v28 =	vadd.f32 v18, v26  }
0x5c: {  	v17 =	vmul.f32 v45, v31;
	v18 =	vld [tilespmem:s30+$0xFFFFFFE0];
	v29 =	vadd.f32 v16, v23;
	v30 =	vadd.f32 v15, v24  }
0x5d: {  	v12 =	vadd.f32 v33, v12;
	v15 =	vadd.f32 v34, v22;
	v16 =	vmul.f32 v41, v19;
	v22 =	vld [tilespmem:s30+$0xFFFFFFF0]  }
0x5e: {  	v21 =	vadd.f32 v32, v21;
	v17 =	vadd.f32 v17, v20;
	v19 =	vmul.f32 v42, v19;
	v20 =	vld [tilespmem:s30+$0x60]  }
0x5f: {  	v12 =	vadd.f32 v46, v12;
	v15 =	vadd.f32 v35, v15;
	v23 =	vmul.f32 v43, v11;
	v24 =	vld [tilespmem:s30+$0x70]  }
0x60: {  	v16 =	vadd.f32 v16, v21;
	v17 =	vadd.f32 v19, v17;
	v11 =	vmul.f32 v40, v11;
	v19 =	vld [tilespmem:s30+$0xE0]  }
0x61: {  	v12 =	vadd.f32 v38, v12;
	v15 =	vadd.f32 v39, v15;
	v18 =	vmul.f32 v18, v8;
	v21 =	vld [tilespmem:s30+$0xF0]  }
0x62: {  	v16 =	vadd.f32 v23, v16;
	v11 =	vadd.f32 v11, v17;
	v8 =	vmul.f32 v22, v8;
	v17 =	vld [tilespmem:s30+$0x160]  }
0x63: {  	v12 =	vadd.f32 v36, v12;
	v15 =	vadd.f32 v37, v15;
	v20 =	vmul.f32 v20, v5;
	v22 =	vld [tilespmem:s30+$0x170]  }
0x64: {  	v16 =	vadd.f32 v18, v16;
	v8 =	vadd.f32 v8, v11;
	v5 =	vmul.f32 v24, v5;
	v11 =	vld [tilespmem:s30+$0x1E0]  }
0x65: {  	v12 =	vadd.f32 v14, v12;
	v13 =	vadd.f32 v13, v15;
	v14 =	vmul.f32 v19, v2;
	v15 =	vld [tilespmem:s30+$0x1F0];
	s30 =	sadd.s32 $0x1800, s30  }
0x66: {  	v16 =	vadd.f32 v20, v16;
	v18 =	vld [tilespmem:s30+$0x180];
	v5 =	vadd.f32 v5, v8;
	v2 =	vmul.f32 v21, v2  }
0x67: {  	v8 =	vadd.f32 v10, v12;
	v9 =	vadd.f32 v9, v13;
	v19 =	vld [tilespmem:s30+$0x190];
	v10 =	vmul.f32 v17, v1  }
0x68: {  	v12 =	vadd.f32 v14, v16;
	v13 =	vld [tilespmem:s30+$0x1A0];
	v2 =	vadd.f32 v2, v5;
	v1 =	vmul.f32 v22, v1  }
0x69: {  	v5 =	vadd.f32 v7, v8;
	v6 =	vadd.f32 v6, v9;
	v14 =	vld [tilespmem:s30+$0x1B0];
	v7 =	vmul.f32 v11, v0  }
0x6a: {  	v8 =	vadd.f32 v10, v12;
	v9 =	vld [tilespmem:s30+$0x1C0];
	v1 =	vadd.f32 v1, v2;
	v2 =	vmul.f32 v15, v0  }
0x6b: {  	s2 =	sshra.s32 s31, $0x2;
	v12 =	vadd.f32 v4, v5;
	v22 =	vadd.f32 v3, v6;
	v10 =	vld [tilespmem:s30+$0x1D0]  }
0x6c: {  	v21 =	vadd.f32 v7, v8;
	v0 =	vld [tilespmem:s2+$0x18980];
	v20 =	vadd.f32 v2, v1  }
0x6d: {  	v6 =	vld [tilespmem:s30+$0x100]  }
0x6e: {  	v7 =	vld [tilespmem:s30+$0x110]  }
0x6f: {  	v23 =	vld [tilespmem:s30+$0x120]  }
0x70: {  	v24 =	vld [tilespmem:s30+$0x130]  }
0x71: {  	v31 =	vld [tilespmem:s30+$0x140]  }
0x72: {  	v32 =	vld [tilespmem:s30+$0x150]  }
0x73: {  	v1 =	vld [tilespmem:s2+$0x18900]  }
0x74: {  	v33 =	vld [tilespmem:s30+$0x80]  }
0x75: {  	v35 =	vld [tilespmem:s30+$0x90]  }
0x76: {  	v36 =	vld [tilespmem:s30+$0xA0]  }
0x77: {  	v37 =	vld [tilespmem:s30+$0xB0]  }
0x78: {  	v38 =	vld [tilespmem:s30+$0xC0]  }
0x79: {  	v39 =	vld [tilespmem:s30+$0xD0]  }
0x7a: {  	v2 =	vld [tilespmem:s2+$0x18880]  }
0x7b: {  	v40 =	vld [tilespmem:s30+$0x0]  }
0x7c: {  	v41 =	vld [tilespmem:s30+$0x10]  }
0x7d: {  	v42 =	vld [tilespmem:s30+$0x20]  }
0x7e: {  	v43 =	vld [tilespmem:s30+$0x30]  }
0x7f: {  	v44 =	vld [tilespmem:s30+$0x40]  }
0x80: {  	v45 =	vld [tilespmem:s30+$0x50]  }
0x81: {  	v5 =	vld [tilespmem:s2+$0x18800]  }
0x82: {  	v46 =	vld [tilespmem:s30+$0xFFFFFF80]  }
0x83: {  	v47 =	vld [tilespmem:s30+$0xFFFFFF90]  }
0x84: {  	v17 =	vmul.f32 v18, v0;
	v18 =	vmul.f32 v19, v0;
	v8 =	vld [tilespmem:s2+$0x18780]  }
0x85: {  	v16 =	vmul.f32 v13, v0;
	v15 =	vmul.f32 v14, v0;
	v48 =	vld [tilespmem:s30+$0xFFFFFF00]  }
0x86: {  	v4 =	vmul.f32 v9, v0;
	v3 =	vmul.f32 v10, v0;
	v49 =	vld [tilespmem:s30+$0xFFFFFF10]  }
0x87: {  	v25 =	vmul.f32 v6, v1;
	v26 =	vmul.f32 v7, v1;
	v11 =	vld [tilespmem:s2+$0x18700]  }
0x88: {  	v23 =	vmul.f32 v23, v1;
	v24 =	vmul.f32 v24, v1;
	v50 =	vld [tilespmem:s30+$0xFFFFFE80]  }
0x89: {  	v7 =	vmul.f32 v31, v1;
	v6 =	vmul.f32 v32, v1;
	v51 =	vld [tilespmem:s30+$0xFFFFFE90]  }
0x8a: {  	v34 =	vmul.f32 v33, v2;
	v35 =	vmul.f32 v35, v2;
	v19 =	vld [tilespmem:s2+$0x18680]  }
0x8b: {  	v32 =	vmul.f32 v36, v2;
	v33 =	vmul.f32 v37, v2;
	v52 =	vld [tilespmem:s30+$0xFFFFFE00]  }
0x8c: {  	v10 =	vmul.f32 v38, v2;
	v9 =	vmul.f32 v39, v2;
	v36 =	vld [tilespmem:s30+$0xFFFFFE10]  }
0x8d: {  	v39 =	vmul.f32 v40, v5;
	v40 =	vmul.f32 v41, v5;
	v37 =	vld [tilespmem:s30+$0xFFFFFE20]  }
0x8e: {  	v53 =	vmul.f32 v42, v5;
	v54 =	vmul.f32 v43, v5;
	v31 =	vld [tilespmem:s2+$0x18600]  }
0x8f: {  	v14 =	vmul.f32 v44, v5;
	v13 =	vmul.f32 v45, v5;
	v38 =	vld [tilespmem:s30+$0xFFFFFE30]  }
0x90: {  	v42 =	vmul.f32 v46, v8;
	v43 =	vmul.f32 v47, v8;
	v41 =	vld [tilespmem:s30+$0xFFFFFEA0]  }
0x91: {  	v45 =	vmul.f32 v48, v11;
	v46 =	vmul.f32 v49, v11;
	v44 =	vld [tilespmem:s30+$0xFFFFFEB0]  }
0x92: {  	v47 =	vmul.f32 v50, v19;
	v48 =	vmul.f32 v51, v19;
	v49 =	vld [tilespmem:s30+$0xFFFFFF20]  }
0x93: {  	v50 =	vmul.f32 v52, v31;
	v36 =	vmul.f32 v36, v31;
	v51 =	vld [tilespmem:s30+$0xFFFFFF30]  }
0x94: {  	v37 =	vmul.f32 v37, v31;
	v38 =	vmul.f32 v38, v31;
	v52 =	vld [tilespmem:s30+$0xFFFFFFA0]  }
0x95: {  	v27 =	vadd.f32 v50, v27;
	v28 =	vadd.f32 v36, v28;
	v36 =	vmul.f32 v41, v19;
	v41 =	vld [tilespmem:s30+$0xFFFFFFB0]  }
0x96: {  	v29 =	vadd.f32 v37, v29;
	v30 =	vadd.f32 v38, v30;
	v37 =	vmul.f32 v44, v19;
	v38 =	vld [tilespmem:s30+$0xFFFFFFC0]  }
0x97: {  	v27 =	vadd.f32 v47, v27;
	v28 =	vadd.f32 v48, v28;
	v44 =	vmul.f32 v49, v11;
	v47 =	vld [tilespmem:s30+$0xFFFFFFD0]  }
0x98: {  	v29 =	vadd.f32 v36, v29;
	v30 =	vadd.f32 v37, v30;
	v36 =	vmul.f32 v51, v11;
	v48 =	vld [tilespmem:s30+$0xFFFFFF40]  }
0x99: {  	v37 =	vadd.f32 v45, v27;
	v45 =	vadd.f32 v46, v28;
	v46 =	vld [tilespmem:s30+$0xFFFFFF50];
	v49 =	vmul.f32 v52, v8  }
.Ltmp0:
0x9a: {  	v44 =	vadd.f32 v44, v29;
	v27 =	vld [tilespmem:s30+$0xFFFFFEC0];
	v30 =	vadd.f32 v36, v30;
	v41 =	vmul.f32 v41, v8;
	(pc) =	sbr.rel @p1 .LBB2_4-.Ltmp0, $4  }
0x9b: {  	v28 =	vld [tilespmem:s30+$0xFFFFFED0];
	v42 =	vadd.f32 v42, v37;
	v43 =	vadd.f32 v43, v45;
	v36 =	vmul.f32 v38, v8  }
0x9c: {  	v44 =	vadd.f32 v49, v44;
	v29 =	vld [tilespmem:s30+$0xFFFFFE40];
	v45 =	vadd.f32 v41, v30;
	v37 =	vmul.f32 v47, v8  }
0x9d: {  	v30 =	vld [tilespmem:s30+$0xFFFFFE50];
	v38 =	vmul.f32 v48, v11;
	v41 =	vadd.f32 v39, v42;
	v42 =	vadd.f32 v40, v43  }
0x9e: {  	s31 =	sadd.s32 $0x1000, s31;
	v43 =	vadd.f32 v53, v44;
	v40 =	vld [tilespmem:s30+$0xFFFFFE60];
	v39 =	vmul.f32 v46, v11;
	v44 =	vadd.f32 v54, v45  }
0x9f: {  	v34 =	vadd.f32 v34, v41;
	v35 =	vadd.f32 v35, v42  }
0xa0: {  	v55 =	vld [tilespmem:s30+$0xFFFFFE70];
	v27 =	vmul.f32 v27, v19;
	v32 =	vadd.f32 v32, v43;
	v33 =	vadd.f32 v33, v44  }
0xa1: {  	v56 =	vld [tilespmem:s30+$0xFFFFFEE0];
	v28 =	vmul.f32 v28, v19;
	v25 =	vadd.f32 v25, v34;
	v26 =	vadd.f32 v26, v35  }
0xa2: {  	v57 =	vld [tilespmem:s30+$0xFFFFFEF0];
	v29 =	vmul.f32 v29, v31;
	v23 =	vadd.f32 v23, v32;
	v24 =	vadd.f32 v24, v33  }
0xa3: {  	v58 =	vld [tilespmem:s30+$0xFFFFFF60];
	v30 =	vmul.f32 v30, v31;
	v17 =	vadd.f32 v17, v25;
	v18 =	vadd.f32 v18, v26  }
0xa4: {  	v60 =	vld [tilespmem:s30+$0xFFFFFF70];
	v59 =	vmul.f32 v40, v31;
	v12 =	vadd.f32 v29, v12;
	v16 =	vadd.f32 v16, v23  }
0xa5: {  	v62 =	vld [tilespmem:s30+$0xFFFFFFE0];
	v61 =	vmul.f32 v55, v31;
	v15 =	vadd.f32 v15, v24;
	v22 =	vadd.f32 v30, v22  }
0xa6: {  	v33 =	vld [tilespmem:s30+$0xFFFFFFF0];
	v63 =	vmul.f32 v56, v19;
	v21 =	vadd.f32 v59, v21;
	v12 =	vadd.f32 v27, v12  }
0xa7: {  	v35 =	vld [tilespmem:s30+$0x60];
	v34 =	vmul.f32 v57, v19;
	v20 =	vadd.f32 v61, v20;
	v22 =	vadd.f32 v28, v22  }
0xa8: {  	v41 =	vld [tilespmem:s30+$0x70];
	v40 =	vmul.f32 v58, v11;
	v21 =	vadd.f32 v63, v21;
	v12 =	vadd.f32 v38, v12  }
0xa9: {  	v43 =	vld [tilespmem:s30+$0xE0];
	v42 =	vmul.f32 v60, v11;
	v19 =	vadd.f32 v34, v20;
	v22 =	vadd.f32 v39, v22  }
0xaa: {  	v45 =	vld [tilespmem:s30+$0xF0];
	v44 =	vmul.f32 v62, v8;
	v21 =	vadd.f32 v40, v21;
	v12 =	vadd.f32 v36, v12  }
0xab: {  	v47 =	vld [tilespmem:s30+$0x160];
	v46 =	vmul.f32 v33, v8;
	v11 =	vadd.f32 v42, v19;
	v22 =	vadd.f32 v37, v22  }
0xac: {  	v48 =	vld [tilespmem:s30+$0x170];
	v23 =	vmul.f32 v35, v5;
	v21 =	vadd.f32 v44, v21;
	v12 =	vadd.f32 v14, v12  }
0xad: {  	v50 =	vld [tilespmem:s30+$0x1E0];
	v49 =	vmul.f32 v41, v5;
	v8 =	vadd.f32 v46, v11;
	v13 =	vadd.f32 v13, v22  }
0xae: {  	v52 =	vld [tilespmem:s30+$0x1F0];
	s2 =	sshll.u32 s28, $0x7;
	v51 =	vmul.f32 v43, v2;
	v21 =	vadd.f32 v23, v21;
	v10 =	vadd.f32 v10, v12  }
0xaf: {  	s2 =	sand.u32 $0x3FFFFF80, s2;
	v53 =	vmul.f32 v45, v2;
	v5 =	vadd.f32 v49, v8;
	v54 =	vadd.f32 v9, v13  }
0xb0: {  	v55 =	vmul.f32 v47, v1;
	[tilespmem:s2+$0x18000] =	vst v17;
	v56 =	vadd.f32 v51, v21;
	v7 =	vadd.f32 v7, v10  }
0xb1: {  	s28 =	sadd.s32 $0x1, s28;
	v57 =	vmul.f32 v48, v1;
	[tilespmem:s2+$0x18010] =	vst v18;
	v2 =	vadd.f32 v53, v5;
	v58 =	vadd.f32 v6, v54  }
0xb2: {  	p1 =	sne.s32 s28, $0x6;
	v59 =	vmul.f32 v50, v0;
	[tilespmem:s2+$0x18020] =	vst v16;
	v60 =	vadd.f32 v55, v56;
	v4 =	vadd.f32 v4, v7  }
.Ltmp1:
0xb3: {  	v61 =	vmul.f32 v52, v0;
	[tilespmem:s2+$0x18030] =	vst v15;
	v1 =	vadd.f32 v57, v2;
	v62 =	vadd.f32 v3, v58;
	(pc) =	sbr.rel @p1 .LBB2_3-.Ltmp1, $4  }
0xb4: {  	v63 =	vadd.f32 v59, v60;
	[tilespmem:s2+$0x18040] =	vst v4  }
0xb5: {  	v0 =	vadd.f32 v61, v1;
	[tilespmem:s2+$0x18050] =	vst v62  }
0xb6: {  	[tilespmem:s2+$0x18060] =	vst v63  }
0xb7: {  	s29 =	sadd.s32 $0x400, s29;
	[tilespmem:s2+$0x18070] =	vst v0  }
0xb8: {  	p1 =	sne.s32 s23, $0x3  }
.Ltmp2:
0xb9: {  	_ = 	snop;
	(pc) =	sbr.rel @p1 .LBB2_8-.Ltmp2, $3  }
0xba: {  	s2 =	smul.u32 $0x60, s26;
	_ =	sdelay $0x1  }
0xbb: {  	s2 =	sadd.s32 s6, s2  }
0xbc: {  	[hbm4b:s2+s4] =	stream.linear.scatter [tilespmem:s17], [sflag:$0x3], $0x300, $0x38;
	[tilespmem:$0x1A600] =	vst v63  }
.Ltmp3:
0xbd: {  	(pc) =	sbr.rel .LBB2_9-.Ltmp3, $4  }
0xbe: {  	_ = 	snop  }
0xbf: {  	_ =	swait.ge [sflag:s18], $0xC000  }
0xc0: {  	[sflag:s18] =	ssyncset.done $0x0  }
0xc1: {  	[sflag:s18] =	ssyncadd.s32 $0xFFFF4000  }
.LBB2_8:
0xc2: {  	s2 =	sadd.s32 s9, s25  }
0xc3: {  	s2 =	smul.u32 $0x300, s2;
	_ =	sdelay $0x1  }
.Ltmp4:
0xc4: {  	s2 =	sadd.s32 s1, s2;
	(pc) =	sbr.rel @p0 .LBB2_10-.Ltmp4, $4  }
0xc5: {  	[tilespmem:s4], [sflag:$0x1] =	stream.strided.gather [hbm4b:s2+s13], $0xC000, s14, s13, $0x38;
	[tilespmem:$0x1A600] =	vst v63  }
0xc6: {  	_ =	swait.ge [sflag:s18], $0xC000  }
0xc7: {  	[sflag:s18] =	ssyncset.done $0x0  }
0xc8: {  	[sflag:s18] =	ssyncadd.s32 $0xFFFF4000  }
.LBB2_9:
0xc9: {  	_ =	swait.ge [sflag:s19], $0x300  }
0xca: {  	[sflag:s19] =	ssyncset.done $0x0  }
0xcb: {  	[sflag:s19] =	ssyncadd.s32 $0xFFFFFD00  }
.LBB2_10:
0xcc: {  	s25 =	simm.s32 $0x0;
	s26 =	simm.s32 $0xC200  }
.LBB2_11:
0xcd: {  	v3 =	vld [tilespmem:s26+$0x180]  }
0xce: {  	v4 =	vld [tilespmem:s26+$0x190]  }
0xcf: {  	v6 =	vld [tilespmem:s26+$0x1A0]  }
0xd0: {  	v7 =	vld [tilespmem:s26+$0x1B0]  }
0xd1: {  	v9 =	vld [tilespmem:s26+$0x1C0]  }
0xd2: {  	v10 =	vld [tilespmem:s26+$0x1D0]  }
0xd3: {  	v12 =	vld [tilespmem:s26+$0x100]  }
0xd4: {  	v13 =	vld [tilespmem:s26+$0x110]  }
0xd5: {  	v14 =	vld [tilespmem:s26+$0x120]  }
0xd6: {  	v19 =	vld [tilespmem:s26+$0x130]  }
0xd7: {  	v20 =	vld [tilespmem:s26+$0x140]  }
0xd8: {  	v21 =	vld [tilespmem:s26+$0x150]  }
0xd9: {  	v22 =	vld [tilespmem:s26+$0x80]  }
0xda: {  	v27 =	vld [tilespmem:s26+$0x90]  }
0xdb: {  	v28 =	vld [tilespmem:s26+$0xA0]  }
0xdc: {  	v29 =	vld [tilespmem:s26+$0xB0]  }
0xdd: {  	v30 =	vld [tilespmem:s26+$0xC0]  }
0xde: {  	v31 =	vld [tilespmem:s26+$0xD0]  }
0xdf: {  	v36 =	vld [tilespmem:s26+$0x0]  }
0xe0: {  	v37 =	vld [tilespmem:s26+$0x10]  }
0xe1: {  	v38 =	vld [tilespmem:s26+$0x20]  }
0xe2: {  	v39 =	vld [tilespmem:s26+$0x30]  }
0xe3: {  	v40 =	vld [tilespmem:s26+$0x40]  }
0xe4: {  	v41 =	vld [tilespmem:s26+$0x50]  }
0xe5: {  	s2 =	simm.s32 $0x0;
	v42 =	vld [tilespmem:s26+$0xFFFFFF80]  }
0xe6: {  	v0 =	vld [tilespmem:s2+$0x18980]  }
0xe7: {  	v43 =	vld [tilespmem:s26+$0xFFFFFF90]  }
0xe8: {  	v44 =	vld [tilespmem:s26+$0xFFFFFF00]  }
0xe9: {  	v1 =	vld [tilespmem:s2+$0x18900]  }
0xea: {  	v45 =	vld [tilespmem:s26+$0xFFFFFF10]  }
0xeb: {  	v46 =	vld [tilespmem:s26+$0xFFFFFE90];
	v17 =	vmul.f32 v3, v0;
	v18 =	vmul.f32 v4, v0  }
0xec: {  	v2 =	vld [tilespmem:s2+$0x18880];
	v16 =	vmul.f32 v6, v0;
	v15 =	vmul.f32 v7, v0  }
0xed: {  	v5 =	vld [tilespmem:s2+$0x18800];
	v4 =	vmul.f32 v9, v0;
	v3 =	vmul.f32 v10, v0  }
0xee: {  	v8 =	vld [tilespmem:s2+$0x18780];
	v25 =	vmul.f32 v12, v1;
	v26 =	vmul.f32 v13, v1  }
0xef: {  	v11 =	vld [tilespmem:s2+$0x18700];
	v23 =	vmul.f32 v14, v1;
	v24 =	vmul.f32 v19, v1  }
0xf0: {  	v12 =	vld [tilespmem:s26+$0xFFFFFE80];
	v7 =	vmul.f32 v20, v1;
	v6 =	vmul.f32 v21, v1  }
0xf1: {  	v19 =	vld [tilespmem:s2+$0x18680];
	v34 =	vmul.f32 v22, v2;
	v35 =	vmul.f32 v27, v2  }
0xf2: {  	v20 =	vld [tilespmem:s26+$0xFFFFFE00];
	v32 =	vmul.f32 v28, v2;
	v33 =	vmul.f32 v29, v2  }
0xf3: {  	v21 =	vld [tilespmem:s26+$0xFFFFFE10];
	v10 =	vmul.f32 v30, v2;
	v9 =	vmul.f32 v31, v2  }
0xf4: {  	v22 =	vld [tilespmem:s26+$0xFFFFFE20];
	v30 =	vmul.f32 v36, v5;
	v47 =	vmul.f32 v37, v5  }
0xf5: {  	v31 =	vld [tilespmem:s2+$0x18600];
	v48 =	vmul.f32 v38, v5;
	v49 =	vmul.f32 v39, v5  }
0xf6: {  	v27 =	vld [tilespmem:s26+$0xFFFFFE30];
	v14 =	vmul.f32 v40, v5;
	v13 =	vmul.f32 v41, v5  }
0xf7: {  	v28 =	vld [tilespmem:s26+$0xFFFFFEA0];
	v29 =	vmul.f32 v42, v8;
	v36 =	vmul.f32 v43, v8  }
0xf8: {  	v61 =	vld [tilespmem:s26+$0xFFFFFEB0];
	v62 =	vmul.f32 v44, v11;
	v63 =	vmul.f32 v45, v11  }
0xf9: {  	v52 =	vld [tilespmem:s26+$0xFFFFFF20];
	v50 =	vmul.f32 v12, v19;
	v51 =	vmul.f32 v46, v19  }
0xfa: {  	v53 =	vld [tilespmem:s26+$0xFFFFFF30];
	v20 =	vmul.f32 v20, v31;
	v21 =	vmul.f32 v21, v31  }
0xfb: {  	v54 =	vld [tilespmem:s26+$0xFFFFFFA0];
	v12 =	vimm.f32 $0.0e+00;
	v22 =	vmul.f32 v22, v31;
	v27 =	vmul.f32 v27, v31  }
0xfc: {  	v55 =	vld [tilespmem:s26+$0xFFFFFFB0];
	v28 =	vmul.f32 v28, v19;
	v20 =	vadd.f32 v20, v12;
	v21 =	vadd.f32 v21, v12  }
0xfd: {  	v59 =	vld [tilespmem:s26+$0xFFFFFF40];
	v37 =	vmul.f32 v61, v19;
	v22 =	vadd.f32 v22, v12;
	v27 =	vadd.f32 v27, v12  }
0xfe: {  	v60 =	vld [tilespmem:s26+$0xFFFFFF50];
	v57 =	vmul.f32 v52, v11;
	v20 =	vadd.f32 v50, v20;
	v21 =	vadd.f32 v51, v21  }
0xff: {  	v58 =	vld [tilespmem:s26+$0xFFFFFFD0];
	v22 =	vadd.f32 v28, v22;
	v27 =	vadd.f32 v37, v27;
	v28 =	vmul.f32 v53, v11  }
0x100: {  	v56 =	vld [tilespmem:s26+$0xFFFFFFC0];
	v61 =	vmul.f32 v54, v8;
	v20 =	vadd.f32 v62, v20;
	v21 =	vadd.f32 v63, v21  }
0x101: {  	v22 =	vadd.f32 v57, v22;
	v62 =	vadd.f32 v28, v27;
	v63 =	vmul.f32 v55, v8  }
0x102: {  	v38 =	vmul.f32 v59, v11;
	v27 =	vld [tilespmem:s26+$0xFFFFFEC0];
	v20 =	vadd.f32 v29, v20;
	v21 =	vadd.f32 v36, v21  }
0x103: {  	v39 =	vmul.f32 v60, v11;
	v28 =	vld [tilespmem:s26+$0xFFFFFED0];
	v22 =	vadd.f32 v61, v22;
	v40 =	vadd.f32 v63, v62  }
0x104: {  	v37 =	vmul.f32 v58, v8;
	v29 =	vld [tilespmem:s26+$0xFFFFFE40];
	v41 =	vadd.f32 v30, v20;
	v42 =	vadd.f32 v47, v21  }
0x105: {  	v36 =	vmul.f32 v56, v8;
	v30 =	vld [tilespmem:s26+$0xFFFFFE50];
	v43 =	vadd.f32 v48, v22;
	v44 =	vadd.f32 v49, v40  }
0x106: {  	s29 =	simm.s32 $0x1000;
	s28 =	smov.u32 s26;
	v40 =	vld [tilespmem:s26+$0xFFFFFE60];
	v22 =	vimm.f32 $0.0e+00;
	v21 =	vimm.f32 $0.0e+00;
	v20 =	vimm.f32 $0.0e+00  }
.LBB2_12:
0x107: {  	p0 =	sne.s32 s29, $0x7000;
	v45 =	vld [tilespmem:s28+$0xFFFFFE70];
	v46 =	vmul.f32 v27, v19;
	v27 =	vadd.f32 v34, v41;
	v34 =	vadd.f32 v35, v42  }
0x108: {  	v35 =	vmul.f32 v28, v19;
	v41 =	vld [tilespmem:s28+$0xFFFFFEE0];
	v28 =	vadd.f32 v32, v43;
	v32 =	vadd.f32 v33, v44  }
0x109: {  	v33 =	vmul.f32 v29, v31;
	v42 =	vld [tilespmem:s28+$0xFFFFFEF0];
	v25 =	vadd.f32 v25, v27;
	v26 =	vadd.f32 v26, v34  }
0x10a: {  	v34 =	vmul.f32 v30, v31;
	v43 =	vld [tilespmem:s28+$0xFFFFFF60];
	v23 =	vadd.f32 v23, v28;
	v24 =	vadd.f32 v24, v32  }
0x10b: {  	v32 =	vmul.f32 v40, v31;
	v40 =	vld [tilespmem:s28+$0xFFFFFF70];
	v27 =	vadd.f32 v17, v25;
	v28 =	vadd.f32 v18, v26  }
0x10c: {  	v17 =	vmul.f32 v45, v31;
	v18 =	vld [tilespmem:s28+$0xFFFFFFE0];
	v29 =	vadd.f32 v16, v23;
	v30 =	vadd.f32 v15, v24  }
0x10d: {  	v12 =	vadd.f32 v33, v12;
	v15 =	vadd.f32 v34, v22;
	v16 =	vmul.f32 v41, v19;
	v22 =	vld [tilespmem:s28+$0xFFFFFFF0]  }
0x10e: {  	v21 =	vadd.f32 v32, v21;
	v17 =	vadd.f32 v17, v20;
	v19 =	vmul.f32 v42, v19;
	v20 =	vld [tilespmem:s28+$0x60]  }
0x10f: {  	v12 =	vadd.f32 v46, v12;
	v15 =	vadd.f32 v35, v15;
	v23 =	vmul.f32 v43, v11;
	v24 =	vld [tilespmem:s28+$0x70]  }
0x110: {  	v16 =	vadd.f32 v16, v21;
	v17 =	vadd.f32 v19, v17;
	v11 =	vmul.f32 v40, v11;
	v19 =	vld [tilespmem:s28+$0xE0]  }
0x111: {  	v12 =	vadd.f32 v38, v12;
	v15 =	vadd.f32 v39, v15;
	v18 =	vmul.f32 v18, v8;
	v21 =	vld [tilespmem:s28+$0xF0]  }
0x112: {  	v16 =	vadd.f32 v23, v16;
	v11 =	vadd.f32 v11, v17;
	v8 =	vmul.f32 v22, v8;
	v17 =	vld [tilespmem:s28+$0x160]  }
0x113: {  	v12 =	vadd.f32 v36, v12;
	v15 =	vadd.f32 v37, v15;
	v20 =	vmul.f32 v20, v5;
	v22 =	vld [tilespmem:s28+$0x170]  }
0x114: {  	v16 =	vadd.f32 v18, v16;
	v8 =	vadd.f32 v8, v11;
	v5 =	vmul.f32 v24, v5;
	v11 =	vld [tilespmem:s28+$0x1E0]  }
0x115: {  	v12 =	vadd.f32 v14, v12;
	v13 =	vadd.f32 v13, v15;
	v14 =	vmul.f32 v19, v2;
	v15 =	vld [tilespmem:s28+$0x1F0];
	s28 =	sadd.s32 $0x1800, s28  }
0x116: {  	v16 =	vadd.f32 v20, v16;
	v18 =	vld [tilespmem:s28+$0x180];
	v5 =	vadd.f32 v5, v8;
	v2 =	vmul.f32 v21, v2  }
0x117: {  	v8 =	vadd.f32 v10, v12;
	v9 =	vadd.f32 v9, v13;
	v19 =	vld [tilespmem:s28+$0x190];
	v10 =	vmul.f32 v17, v1  }
0x118: {  	v12 =	vadd.f32 v14, v16;
	v13 =	vld [tilespmem:s28+$0x1A0];
	v2 =	vadd.f32 v2, v5;
	v1 =	vmul.f32 v22, v1  }
0x119: {  	v5 =	vadd.f32 v7, v8;
	v6 =	vadd.f32 v6, v9;
	v14 =	vld [tilespmem:s28+$0x1B0];
	v7 =	vmul.f32 v11, v0  }
0x11a: {  	v8 =	vadd.f32 v10, v12;
	v9 =	vld [tilespmem:s28+$0x1C0];
	v1 =	vadd.f32 v1, v2;
	v2 =	vmul.f32 v15, v0  }
0x11b: {  	s2 =	sshra.s32 s29, $0x2;
	v12 =	vadd.f32 v4, v5;
	v22 =	vadd.f32 v3, v6;
	v10 =	vld [tilespmem:s28+$0x1D0]  }
0x11c: {  	v21 =	vadd.f32 v7, v8;
	v0 =	vld [tilespmem:s2+$0x18980];
	v20 =	vadd.f32 v2, v1  }
0x11d: {  	v6 =	vld [tilespmem:s28+$0x100]  }
0x11e: {  	v7 =	vld [tilespmem:s28+$0x110]  }
0x11f: {  	v23 =	vld [tilespmem:s28+$0x120]  }
0x120: {  	v24 =	vld [tilespmem:s28+$0x130]  }
0x121: {  	v31 =	vld [tilespmem:s28+$0x140]  }
0x122: {  	v32 =	vld [tilespmem:s28+$0x150]  }
0x123: {  	v1 =	vld [tilespmem:s2+$0x18900]  }
0x124: {  	v33 =	vld [tilespmem:s28+$0x80]  }
0x125: {  	v35 =	vld [tilespmem:s28+$0x90]  }
0x126: {  	v36 =	vld [tilespmem:s28+$0xA0]  }
0x127: {  	v37 =	vld [tilespmem:s28+$0xB0]  }
0x128: {  	v38 =	vld [tilespmem:s28+$0xC0]  }
0x129: {  	v39 =	vld [tilespmem:s28+$0xD0]  }
0x12a: {  	v2 =	vld [tilespmem:s2+$0x18880]  }
0x12b: {  	v40 =	vld [tilespmem:s28+$0x0]  }
0x12c: {  	v41 =	vld [tilespmem:s28+$0x10]  }
0x12d: {  	v42 =	vld [tilespmem:s28+$0x20]  }
0x12e: {  	v43 =	vld [tilespmem:s28+$0x30]  }
0x12f: {  	v44 =	vld [tilespmem:s28+$0x40]  }
0x130: {  	v45 =	vld [tilespmem:s28+$0x50]  }
0x131: {  	v5 =	vld [tilespmem:s2+$0x18800]  }
0x132: {  	v46 =	vld [tilespmem:s28+$0xFFFFFF80]  }
0x133: {  	v47 =	vld [tilespmem:s28+$0xFFFFFF90]  }
0x134: {  	v17 =	vmul.f32 v18, v0;
	v18 =	vmul.f32 v19, v0;
	v8 =	vld [tilespmem:s2+$0x18780]  }
0x135: {  	v16 =	vmul.f32 v13, v0;
	v15 =	vmul.f32 v14, v0;
	v48 =	vld [tilespmem:s28+$0xFFFFFF00]  }
0x136: {  	v4 =	vmul.f32 v9, v0;
	v3 =	vmul.f32 v10, v0;
	v49 =	vld [tilespmem:s28+$0xFFFFFF10]  }
0x137: {  	v25 =	vmul.f32 v6, v1;
	v26 =	vmul.f32 v7, v1;
	v11 =	vld [tilespmem:s2+$0x18700]  }
0x138: {  	v23 =	vmul.f32 v23, v1;
	v24 =	vmul.f32 v24, v1;
	v50 =	vld [tilespmem:s28+$0xFFFFFE80]  }
0x139: {  	v7 =	vmul.f32 v31, v1;
	v6 =	vmul.f32 v32, v1;
	v51 =	vld [tilespmem:s28+$0xFFFFFE90]  }
0x13a: {  	v34 =	vmul.f32 v33, v2;
	v35 =	vmul.f32 v35, v2;
	v19 =	vld [tilespmem:s2+$0x18680]  }
0x13b: {  	v32 =	vmul.f32 v36, v2;
	v33 =	vmul.f32 v37, v2;
	v52 =	vld [tilespmem:s28+$0xFFFFFE00]  }
0x13c: {  	v10 =	vmul.f32 v38, v2;
	v9 =	vmul.f32 v39, v2;
	v36 =	vld [tilespmem:s28+$0xFFFFFE10]  }
0x13d: {  	v39 =	vmul.f32 v40, v5;
	v40 =	vmul.f32 v41, v5;
	v37 =	vld [tilespmem:s28+$0xFFFFFE20]  }
0x13e: {  	v53 =	vmul.f32 v42, v5;
	v54 =	vmul.f32 v43, v5;
	v31 =	vld [tilespmem:s2+$0x18600]  }
0x13f: {  	v14 =	vmul.f32 v44, v5;
	v13 =	vmul.f32 v45, v5;
	v38 =	vld [tilespmem:s28+$0xFFFFFE30]  }
0x140: {  	v42 =	vmul.f32 v46, v8;
	v43 =	vmul.f32 v47, v8;
	v41 =	vld [tilespmem:s28+$0xFFFFFEA0]  }
0x141: {  	v45 =	vmul.f32 v48, v11;
	v46 =	vmul.f32 v49, v11;
	v44 =	vld [tilespmem:s28+$0xFFFFFEB0]  }
0x142: {  	v47 =	vmul.f32 v50, v19;
	v48 =	vmul.f32 v51, v19;
	v49 =	vld [tilespmem:s28+$0xFFFFFF20]  }
0x143: {  	v50 =	vmul.f32 v52, v31;
	v36 =	vmul.f32 v36, v31;
	v51 =	vld [tilespmem:s28+$0xFFFFFF30]  }
0x144: {  	v37 =	vmul.f32 v37, v31;
	v38 =	vmul.f32 v38, v31;
	v52 =	vld [tilespmem:s28+$0xFFFFFFA0]  }
0x145: {  	v27 =	vadd.f32 v50, v27;
	v28 =	vadd.f32 v36, v28;
	v36 =	vmul.f32 v41, v19;
	v41 =	vld [tilespmem:s28+$0xFFFFFFB0]  }
0x146: {  	v29 =	vadd.f32 v37, v29;
	v30 =	vadd.f32 v38, v30;
	v37 =	vmul.f32 v44, v19;
	v38 =	vld [tilespmem:s28+$0xFFFFFFC0]  }
0x147: {  	v27 =	vadd.f32 v47, v27;
	v28 =	vadd.f32 v48, v28;
	v44 =	vmul.f32 v49, v11;
	v47 =	vld [tilespmem:s28+$0xFFFFFFD0]  }
0x148: {  	v29 =	vadd.f32 v36, v29;
	v30 =	vadd.f32 v37, v30;
	v36 =	vmul.f32 v51, v11;
	v48 =	vld [tilespmem:s28+$0xFFFFFF40]  }
0x149: {  	v37 =	vadd.f32 v45, v27;
	v45 =	vadd.f32 v46, v28;
	v46 =	vld [tilespmem:s28+$0xFFFFFF50];
	v49 =	vmul.f32 v52, v8  }
.Ltmp5:
0x14a: {  	v44 =	vadd.f32 v44, v29;
	v27 =	vld [tilespmem:s28+$0xFFFFFEC0];
	v30 =	vadd.f32 v36, v30;
	v41 =	vmul.f32 v41, v8;
	(pc) =	sbr.rel @p0 .LBB2_12-.Ltmp5, $4  }
0x14b: {  	v28 =	vld [tilespmem:s28+$0xFFFFFED0];
	v42 =	vadd.f32 v42, v37;
	v43 =	vadd.f32 v43, v45;
	v36 =	vmul.f32 v38, v8  }
0x14c: {  	v44 =	vadd.f32 v49, v44;
	v29 =	vld [tilespmem:s28+$0xFFFFFE40];
	v45 =	vadd.f32 v41, v30;
	v37 =	vmul.f32 v47, v8  }
0x14d: {  	v30 =	vld [tilespmem:s28+$0xFFFFFE50];
	v38 =	vmul.f32 v48, v11;
	v41 =	vadd.f32 v39, v42;
	v42 =	vadd.f32 v40, v43  }
0x14e: {  	s29 =	sadd.s32 $0x1000, s29;
	v43 =	vadd.f32 v53, v44;
	v40 =	vld [tilespmem:s28+$0xFFFFFE60];
	v39 =	vmul.f32 v46, v11;
	v44 =	vadd.f32 v54, v45  }
0x14f: {  	v34 =	vadd.f32 v34, v41;
	v35 =	vadd.f32 v35, v42  }
0x150: {  	v55 =	vld [tilespmem:s28+$0xFFFFFE70];
	v27 =	vmul.f32 v27, v19;
	v32 =	vadd.f32 v32, v43;
	v33 =	vadd.f32 v33, v44  }
0x151: {  	v56 =	vld [tilespmem:s28+$0xFFFFFEE0];
	v28 =	vmul.f32 v28, v19;
	v25 =	vadd.f32 v25, v34;
	v26 =	vadd.f32 v26, v35  }
0x152: {  	v57 =	vld [tilespmem:s28+$0xFFFFFEF0];
	v29 =	vmul.f32 v29, v31;
	v23 =	vadd.f32 v23, v32;
	v24 =	vadd.f32 v24, v33  }
0x153: {  	v58 =	vld [tilespmem:s28+$0xFFFFFF60];
	v30 =	vmul.f32 v30, v31;
	v17 =	vadd.f32 v17, v25;
	v18 =	vadd.f32 v18, v26  }
0x154: {  	v60 =	vld [tilespmem:s28+$0xFFFFFF70];
	v59 =	vmul.f32 v40, v31;
	v12 =	vadd.f32 v29, v12;
	v16 =	vadd.f32 v16, v23  }
0x155: {  	v62 =	vld [tilespmem:s28+$0xFFFFFFE0];
	v61 =	vmul.f32 v55, v31;
	v15 =	vadd.f32 v15, v24;
	v22 =	vadd.f32 v30, v22  }
0x156: {  	v33 =	vld [tilespmem:s28+$0xFFFFFFF0];
	v63 =	vmul.f32 v56, v19;
	v21 =	vadd.f32 v59, v21;
	v12 =	vadd.f32 v27, v12  }
0x157: {  	v35 =	vld [tilespmem:s28+$0x60];
	v34 =	vmul.f32 v57, v19;
	v20 =	vadd.f32 v61, v20;
	v22 =	vadd.f32 v28, v22  }
0x158: {  	v41 =	vld [tilespmem:s28+$0x70];
	v40 =	vmul.f32 v58, v11;
	v21 =	vadd.f32 v63, v21;
	v12 =	vadd.f32 v38, v12  }
0x159: {  	v43 =	vld [tilespmem:s28+$0xE0];
	v42 =	vmul.f32 v60, v11;
	v19 =	vadd.f32 v34, v20;
	v22 =	vadd.f32 v39, v22  }
0x15a: {  	v45 =	vld [tilespmem:s28+$0xF0];
	v44 =	vmul.f32 v62, v8;
	v21 =	vadd.f32 v40, v21;
	v12 =	vadd.f32 v36, v12  }
0x15b: {  	v47 =	vld [tilespmem:s28+$0x160];
	v46 =	vmul.f32 v33, v8;
	v11 =	vadd.f32 v42, v19;
	v22 =	vadd.f32 v37, v22  }
0x15c: {  	v48 =	vld [tilespmem:s28+$0x170];
	v23 =	vmul.f32 v35, v5;
	v21 =	vadd.f32 v44, v21;
	v12 =	vadd.f32 v14, v12  }
0x15d: {  	v50 =	vld [tilespmem:s28+$0x1E0];
	v49 =	vmul.f32 v41, v5;
	v8 =	vadd.f32 v46, v11;
	v13 =	vadd.f32 v13, v22  }
0x15e: {  	v52 =	vld [tilespmem:s28+$0x1F0];
	s2 =	sshll.u32 s25, $0x7;
	v51 =	vmul.f32 v43, v2;
	v21 =	vadd.f32 v23, v21;
	v10 =	vadd.f32 v10, v12  }
0x15f: {  	s2 =	sand.u32 $0x3FFFFF80, s2;
	v53 =	vmul.f32 v45, v2;
	v5 =	vadd.f32 v49, v8;
	v54 =	vadd.f32 v9, v13  }
0x160: {  	v55 =	vmul.f32 v47, v1;
	[tilespmem:s2+$0x18300] =	vst v17;
	v56 =	vadd.f32 v51, v21;
	v7 =	vadd.f32 v7, v10  }
0x161: {  	s25 =	sadd.s32 $0x1, s25;
	v57 =	vmul.f32 v48, v1;
	[tilespmem:s2+$0x18310] =	vst v18;
	v2 =	vadd.f32 v53, v5;
	v58 =	vadd.f32 v6, v54  }
0x162: {  	p0 =	sne.s32 s25, $0x6;
	v59 =	vmul.f32 v50, v0;
	[tilespmem:s2+$0x18320] =	vst v16;
	v60 =	vadd.f32 v55, v56;
	v4 =	vadd.f32 v4, v7  }
.Ltmp6:
0x163: {  	v61 =	vmul.f32 v52, v0;
	[tilespmem:s2+$0x18330] =	vst v15;
	v1 =	vadd.f32 v57, v2;
	v62 =	vadd.f32 v3, v58;
	(pc) =	sbr.rel @p0 .LBB2_11-.Ltmp6, $4  }
0x164: {  	v63 =	vadd.f32 v59, v60;
	[tilespmem:s2+$0x18340] =	vst v4  }
0x165: {  	v0 =	vadd.f32 v61, v1;
	[tilespmem:s2+$0x18350] =	vst v62  }
0x166: {  	[tilespmem:s2+$0x18360] =	vst v63  }
0x167: {  	s26 =	sadd.s32 $0x400, s26;
	[tilespmem:s2+$0x18370] =	vst v0  }
0x168: {  	s23 =	sadd.s32 $0x1, s23  }
0x169: {  	p0 =	sne.s32 s23, $0x4  }
.Ltmp7:
0x16a: {  	_ = 	snop;
	(pc) =	sbr.rel @p0 .LBB2_2-.Ltmp7, $3  }
0x16b: {  	s2 =	smul.u32 $0x60, s24;
	_ =	sdelay $0x1  }
0x16c: {  	s2 =	sadd.s32 s6, s2  }
0x16d: {  	[hbm4b:s2+s4] =	stream.linear.scatter [tilespmem:s20], [sflag:$0x4], $0x300, $0x38;
	[tilespmem:$0x1A600] =	vst v63  }
0x16e: {  	s22 =	sadd.s32 $0x1, s22  }
0x16f: {  	_ =	swait.ge [sflag:s21], $0x300;
	p0 =	sne.s32 s22, s10  }
.Ltmp8:
0x170: {  	[sflag:s21] =	ssyncset.done $0x0;
	(pc) =	sbr.rel @p0 .LBB2_1-.Ltmp8, $4  }
0x171: {  	[sflag:s21] =	ssyncadd.s32 $0xFFFFFD00  }
0x172: {  	_ =	swait.ge [sflag:s19], $0x300  }
0x173: {  	[sflag:s19] =	ssyncset.done $0x0  }
0x174: {  	[sflag:s19] =	ssyncadd.s32 $0xFFFFFD00  }
0x175: {  	_ =	sfence.sel $0x180000  }
0x176: {  	[bflag:$0x0] =	sbarrier.arrive $0xFFFF  }
0x177: {  	_ =	strace $0x90000047  }
0x178: {  	[bflag:$0x2] =	sbarrier.arrive $0xFFFF  }
0x179: {  	p0 =	sne.s32 s0, $0x0;
	s0 =	rddreg [dreg:$0x3]  }
0x17a: {  	s0 =	sadd.s32 @!p0 $0x100000, s0  }
0x17b: {  	[sflag:s0] =	ssyncadd.tile.s32 @!p0 $0x1;
	_ =	shalt  }
.Lfunc_end2:
_tile_overlayer_lowered:
.L_overlay_start_2:
0x17c: {  	(tag) =	ssettag $0x2  }
0x17d: {  	s0 =	rddreg [dreg:$0x0];
	s2 =	stileid.u32  }
0x17e: {  	s1 =	rddreg [dreg:$0x1];
	p0 =	sne.s32 s2, $0x0  }
0x17f: {  	s3 =	rddreg [dreg:$0x2];
	[bflag:$0x3] =	sbarrier.arrive $0xFFFF;
	s2 =	simm.s32 @!p0 $0x1C05  }
0x180: {  	[timem:s3], [sflag:s2] =	dma.local @!p0 [hbm:s0], s1  }
0x181: {  	s0 =	simm.s32 @!p0 $0x5  }
0x182: {  	_ =	swait.ge @!p0 [sflag:s0], s1  }
0x183: {  	s1 =	ssub.s32 @!p0 $0x0, s1;
	[sflag:s0] =	ssyncset.done @!p0 $0x0  }
0x184: {  	[sflag:s0] =	ssyncadd.s32 @!p0 s1  }
0x185: {  	[bflag:$0x3] =	sbarrier.arrive $0xFFFF  }
0x186: {  	_ =	shalt  }

</sc_bundles>
